<compile_context>
chip_gen: v7x
topology: tpu7x:2x2x1
jax: 0.10.2.dev20260603
libtpu: 0.0.44.dev20260713+nightly
codegen_flags: <defaults>
</compile_context>

<pallas_src>
import functools

import jax
import jax.numpy as jnp
from jax import lax
from jax.experimental import pallas as pl
from jax.experimental.pallas import tpu as pltpu
from jax.experimental.pallas import tpu_sc as plsc

B = 1024
L = 200
D = 128
N = B * L
NW = 32
PER_W = N // NW
CH = 80
NCH = PER_W // CH
NBUF = 5
LANES = 16


def _pos_segments(slot):
    poff = (slot * CH) % L
    segs = [(0, min(CH, L - poff), poff)]
    if L - poff < CH:
        segs.append((L - poff, CH, poff - L))
    return segs


@jax.jit
def _sc_embed(ids3, table, pos):
    mesh = plsc.VectorSubcoreMesh(core_axis_name="c", subcore_axis_name="s")

    @functools.partial(
        pl.kernel,
        mesh=mesh,
        out_type=jax.ShapeDtypeStruct((N, D), jnp.float32),
        scratch_types=[
            pltpu.VMEM((NCH, CH), jnp.int32),
            pltpu.VMEM((L, D), jnp.float32),
        ]
        + [pltpu.VMEM((CH, D), jnp.float32) for _ in range(NBUF)]
        + [pltpu.SemaphoreType.DMA for _ in range(2 * NBUF)],
    )
    def k(ids_hbm, table_hbm, pos_hbm, out_hbm, idx_v, pos_v, *bufsem):
        bufs = bufsem[:NBUF]
        gsems = bufsem[NBUF:2 * NBUF]
        ssems = bufsem[2 * NBUF:]
        wid = lax.axis_index("s") * 2 + lax.axis_index("c")
        base = wid * PER_W
        pltpu.sync_copy(ids_hbm.at[wid], idx_v)
        pltpu.sync_copy(pos_hbm.at[pl.ds(0, L)], pos_v)

        def prefill(slot):
            for lo, hi, off in _pos_segments(slot):

                def row_body(r, _, slot=slot, off=off):
                    for kk in range(D // LANES):
                        sl = pl.ds(kk * LANES, LANES)
                        bufs[slot][r, sl] = pos_v[r + off, sl]
                    return 0

                lax.fori_loop(lo, hi, row_body, 0)

        for b in range(NBUF - 1):
            prefill(b)
            pltpu.async_copy(
                table_hbm.at[idx_v.at[b]], bufs[b], gsems[b], add=True
            )

        def super_body(s, _):
            c0 = s * NBUF
            for b in range(NBUF):
                c = c0 + b
                buf = bufs[b]
                pltpu.make_async_copy(
                    table_hbm.at[idx_v.at[c]], buf, gsems[b]
                ).wait()
                pltpu.async_copy(
                    buf, out_hbm.at[pl.ds(base + c * CH, CH)], ssems[b]
                )

                bn = (b + NBUF - 1) % NBUF
                cn = c + NBUF - 1

                @pl.when(c >= 1)
                def _():
                    pltpu.make_async_copy(
                        bufs[bn], out_hbm.at[pl.ds(0, CH)], ssems[bn]
                    ).wait()

                @pl.when(cn < NCH)
                def _():
                    prefill(bn)
                    pltpu.async_copy(
                        table_hbm.at[idx_v.at[cn]], bufs[bn], gsems[bn],
                        add=True,
                    )

            return 0

        lax.fori_loop(0, NCH // NBUF, super_body, 0)

        bl = (NCH - 1) % NBUF
        pltpu.make_async_copy(
            bufs[bl], out_hbm.at[pl.ds(0, CH)], ssems[bl]
        ).wait()

    return k(ids3, table, pos)


def kernel(input_ids, aug_embeddings, position_embedding):
    ids3 = input_ids.astype(jnp.int32).reshape(NW, NCH, CH)
    out = _sc_embed(ids3, aug_embeddings, position_embedding)
    return out.reshape(B, L, D)

# --- scband reference (transcript-rebuilt; emitter-appended) ---
"""Pipeline reference for scband-word-embedding-14001593385018 (READ-ONLY COPY).

The authoritative reference and input builder live on the scoring server;
editing this copy changes nothing except your own understanding.
"""

import jax, jax.numpy as jnp
import numpy as np

VOCAB = 100000
N_SPECIAL = 5
DIM = 128
B = 1024
L = 200
MAX_POS = 512
INIT_STD = 0.02
OOV_IDX = VOCAB
PAD_IDX = VOCAB + 1


def setup_inputs(seed: int = 0) -> dict:
    key = jax.random.key(seed)
    k1, k2, k3 = jax.random.split(key, 3)
    input_ids = jax.random.randint(k1, (B, L), 0, VOCAB + N_SPECIAL, dtype=jnp.int64)
    # aug_embeddings = concat(pretrained word embeddings, special token embeddings)
    aug_embeddings = jax.random.normal(k2, (VOCAB + N_SPECIAL, DIM), dtype=jnp.float32) * INIT_STD
    position_embedding = jax.random.normal(k3, (MAX_POS, DIM), dtype=jnp.float32) * INIT_STD
    return {"input_ids": input_ids, "aug_embeddings": aug_embeddings, "position_embedding": position_embedding}


def reference(input_ids, aug_embeddings, position_embedding):
    # Core numeric forward of WordEmbedding: embedding gather over the
    # augmented table, plus learned position embedding add.
    seq_len = input_ids.shape[1]
    input_embeddings = jnp.take(aug_embeddings, input_ids, axis=0)  # [B, L, D]
    encoded_tokens = input_embeddings + position_embedding[:seq_len][None, :, :]
    return encoded_tokens

if __name__ == "__main__":
    import jax
    _d = setup_inputs()
    print(jax.jit(kernel)(*tuple(_d.values())))

</pallas_src>

<mosaic_0001>
#map = affine_map<(d0, d1) -> (0, 0, 0)>
#map1 = affine_map<(d0, d1) -> (0, 0)>
module attributes {stable_mosaic.version = 14 : i64} {
  func.func @k(%arg0: i32, %arg1: i32, %arg2: memref<32x80x80xi32, #tpu.memory_space<hbm>>, %arg3: memref<100005x128xf32, #tpu.memory_space<hbm>>, %arg4: memref<512x128xf32, #tpu.memory_space<hbm>>, %arg5: memref<204800x128xf32, #tpu.memory_space<hbm>>, %arg6: memref<80x80xi32, #tpu.memory_space<vmem>>, %arg7: memref<200x128xf32, #tpu.memory_space<vmem>>, %arg8: memref<80x128xf32, #tpu.memory_space<vmem>>, %arg9: memref<80x128xf32, #tpu.memory_space<vmem>>, %arg10: memref<80x128xf32, #tpu.memory_space<vmem>>, %arg11: memref<80x128xf32, #tpu.memory_space<vmem>>, %arg12: memref<80x128xf32, #tpu.memory_space<vmem>>, %arg13: memref<!tpu.dma_semaphore, #tpu.memory_space<semaphore_mem>>, %arg14: memref<!tpu.dma_semaphore, #tpu.memory_space<semaphore_mem>>, %arg15: memref<!tpu.dma_semaphore, #tpu.memory_space<semaphore_mem>>, %arg16: memref<!tpu.dma_semaphore, #tpu.memory_space<semaphore_mem>>, %arg17: memref<!tpu.dma_semaphore, #tpu.memory_space<semaphore_mem>>, %arg18: memref<!tpu.dma_semaphore, #tpu.memory_space<semaphore_mem>>, %arg19: memref<!tpu.dma_semaphore, #tpu.memory_space<semaphore_mem>>, %arg20: memref<!tpu.dma_semaphore, #tpu.memory_space<semaphore_mem>>, %arg21: memref<!tpu.dma_semaphore, #tpu.memory_space<semaphore_mem>>, %arg22: memref<!tpu.dma_semaphore, #tpu.memory_space<semaphore_mem>>) attributes {dimension_semantics = [#tpu.dimension_semantics<core_parallel>, #tpu.dimension_semantics<subcore_parallel>], iteration_bounds = array<i64: 2, 16>, scalar_prefetch = 0 : i64, scratch_operands = 17 : i64, tpu.core_type = #tpu.core_type<sc_vector_subcore>, window_params = [{transform_indices = #map}, {transform_indices = #map1}, {transform_indices = #map1}, {transform_indices = #map1}]} {
    %mul3A = arith.constant 2 : i32
    %mul3A_0 = arith.muli %arg1, %mul3A : i32
    %add3A = arith.addi %mul3A_0, %arg0 : i32
    %mul3A_1 = arith.constant 6400 : i32
    %mul3A_2 = arith.muli %add3A, %mul3A_1 : i32
    "tpu.region"() ({
      %run_scoped3A = tpu.sem_alloc : memref<!tpu.dma_semaphore, #tpu.memory_space<semaphore_mem>>
      %dma_start3A_76 = arith.constant 0 : i32
      %dma_start3A_77 = arith.constant 0 : i32
      %dma_start3A_78 = tpu.memref_slice %arg2[%add3A, %dma_start3A_76, %dma_start3A_77] : memref<32x80x80xi32, #tpu.memory_space<hbm>> -> memref<1x80x80xi32, #tpu.memory_space<hbm>>
      %dma_start3A_79 = tpu.memref_squeeze %dma_start3A_78 : memref<1x80x80xi32, #tpu.memory_space<hbm>> -> memref<80x80xi32, #tpu.memory_space<hbm>>
      %dma_start3A_80 = arith.constant 0 : i32
      %dma_start3A_81 = arith.constant 0 : i32
      %dma_start3A_82 = tpu.memref_slice %arg2[%add3A, %dma_start3A_80, %dma_start3A_81] : memref<32x80x80xi32, #tpu.memory_space<hbm>> -> memref<1x80x80xi32, #tpu.memory_space<hbm>>
      %dma_start3A_83 = tpu.memref_squeeze %dma_start3A_82 : memref<1x80x80xi32, #tpu.memory_space<hbm>> -> memref<80x80xi32, #tpu.memory_space<hbm>>
      tpu.enqueue_dma source(%dma_start3A_83 : memref<80x80xi32, #tpu.memory_space<hbm>>) target(%arg6 : memref<80x80xi32, #tpu.memory_space<vmem>>) target_semaphore(%run_scoped3A : memref<!tpu.dma_semaphore, #tpu.memory_space<semaphore_mem>>)
      %dma_wait3A_84 = arith.constant 0 : i32
      %dma_wait3A_85 = arith.constant 0 : i32
      %dma_wait3A_86 = tpu.memref_slice %arg2[%add3A, %dma_wait3A_84, %dma_wait3A_85] : memref<32x80x80xi32, #tpu.memory_space<hbm>> -> memref<1x80x80xi32, #tpu.memory_space<hbm>>
      %dma_wait3A_87 = tpu.memref_squeeze %dma_wait3A_86 : memref<1x80x80xi32, #tpu.memory_space<hbm>> -> memref<80x80xi32, #tpu.memory_space<hbm>>
      %dma_wait3A_88 = arith.constant 0 : i32
      %dma_wait3A_89 = arith.constant 0 : i32
      %dma_wait3A_90 = tpu.memref_slice %arg2[%add3A, %dma_wait3A_88, %dma_wait3A_89] : memref<32x80x80xi32, #tpu.memory_space<hbm>> -> memref<1x80x80xi32, #tpu.memory_space<hbm>>
      %dma_wait3A_91 = tpu.memref_squeeze %dma_wait3A_90 : memref<1x80x80xi32, #tpu.memory_space<hbm>> -> memref<80x80xi32, #tpu.memory_space<hbm>>
      tpu.wait_dma2 semaphore(%run_scoped3A : memref<!tpu.dma_semaphore, #tpu.memory_space<semaphore_mem>>) src(%dma_wait3A_91 : memref<80x80xi32, #tpu.memory_space<hbm>>) dst(%arg6 : memref<80x80xi32, #tpu.memory_space<vmem>>)
      tpu.yield
    }) : () -> ()
    "tpu.region"() ({
      %run_scoped3A = tpu.sem_alloc : memref<!tpu.dma_semaphore, #tpu.memory_space<semaphore_mem>>
      %dma_start3A_76 = arith.constant 0 : i32
      %dma_start3A_77 = arith.constant 0 : i32
      %dma_start3A_78 = tpu.memref_slice %arg4[%dma_start3A_76, %dma_start3A_77] : memref<512x128xf32, #tpu.memory_space<hbm>> -> memref<200x128xf32, #tpu.memory_space<hbm>>
      %dma_start3A_79 = arith.constant 0 : i32
      %dma_start3A_80 = arith.constant 0 : i32
      %dma_start3A_81 = tpu.memref_slice %arg4[%dma_start3A_79, %dma_start3A_80] : memref<512x128xf32, #tpu.memory_space<hbm>> -> memref<200x128xf32, #tpu.memory_space<hbm>>
      tpu.enqueue_dma source(%dma_start3A_81 : memref<200x128xf32, #tpu.memory_space<hbm>>) target(%arg7 : memref<200x128xf32, #tpu.memory_space<vmem>>) target_semaphore(%run_scoped3A : memref<!tpu.dma_semaphore, #tpu.memory_space<semaphore_mem>>)
      %dma_wait3A_82 = arith.constant 0 : i32
      %dma_wait3A_83 = arith.constant 0 : i32
      %dma_wait3A_84 = tpu.memref_slice %arg4[%dma_wait3A_82, %dma_wait3A_83] : memref<512x128xf32, #tpu.memory_space<hbm>> -> memref<200x128xf32, #tpu.memory_space<hbm>>
      %dma_wait3A_85 = arith.constant 0 : i32
      %dma_wait3A_86 = arith.constant 0 : i32
      %dma_wait3A_87 = tpu.memref_slice %arg4[%dma_wait3A_85, %dma_wait3A_86] : memref<512x128xf32, #tpu.memory_space<hbm>> -> memref<200x128xf32, #tpu.memory_space<hbm>>
      tpu.wait_dma2 semaphore(%run_scoped3A : memref<!tpu.dma_semaphore, #tpu.memory_space<semaphore_mem>>) src(%dma_wait3A_87 : memref<200x128xf32, #tpu.memory_space<hbm>>) dst(%arg7 : memref<200x128xf32, #tpu.memory_space<vmem>>)
      tpu.yield
    }) : () -> ()
    %scan3A = arith.constant 0 : i32
    %scan3A_3 = arith.constant 0 : i32
    %scan3A_4 = arith.constant 80 : i32
    %scan3A_5 = arith.addi %scan3A_3, %scan3A_4 : i32
    %scan3A_6 = arith.constant 1 : i32
    %scan3A_7 = scf.for %scan3A_76 = %scan3A_3 to %scan3A_5 step %scan3A_6 iter_args(%scan3A_77 = %scan3A) -> (i32)  : i32 {
      %add3A_78 = arith.constant 0 : i32
      %add3A_79 = arith.addi %scan3A_76, %add3A_78 : i32
      %get3A = arith.index_cast %add3A_79 : i32 to index
      %get3A_80 = arith.constant 0 : index
      %get3A_81 = tpu.vector_load %arg7[%get3A, %get3A_80] {strides = array<i32>} : memref<200x128xf32, #tpu.memory_space<vmem>>, vector<1x16xf32>,
      %get3A_82 = vector.shape_cast %get3A_81 : vector<1x16xf32> to vector<16xf32>
      %swap3A = arith.index_cast %scan3A_76 : i32 to index
      %swap3A_83 = arith.constant 0 : index
      %swap3A_84 = tpu.vector_load %arg8[%swap3A, %swap3A_83] {strides = array<i32>} : memref<80x128xf32, #tpu.memory_space<vmem>>, vector<1x16xf32>,
      %swap3A_85 = vector.shape_cast %swap3A_84 : vector<1x16xf32> to vector<16xf32>
      %swap3A_86 = vector.shape_cast %get3A_82 : vector<16xf32> to vector<1x16xf32>
      tpu.vector_store %arg8[%swap3A, %swap3A_83], %swap3A_86 {strides = array<i32>} : memref<80x128xf32, #tpu.memory_space<vmem>>, vector<1x16xf32>,
      %add3A_87 = arith.constant 0 : i32
      %add3A_88 = arith.addi %scan3A_76, %add3A_87 : i32
      %get3A_89 = arith.index_cast %add3A_88 : i32 to index
      %get3A_90 = arith.constant 16 : index
      %get3A_91 = tpu.vector_load %arg7[%get3A_89, %get3A_90] {strides = array<i32>} : memref<200x128xf32, #tpu.memory_space<vmem>>, vector<1x16xf32>,
      %get3A_92 = vector.shape_cast %get3A_91 : vector<1x16xf32> to vector<16xf32>
      %swap3A_93 = arith.index_cast %scan3A_76 : i32 to index
      %swap3A_94 = arith.constant 16 : index
      %swap3A_95 = tpu.vector_load %arg8[%swap3A_93, %swap3A_94] {strides = array<i32>} : memref<80x128xf32, #tpu.memory_space<vmem>>, vector<1x16xf32>,
      %swap3A_96 = vector.shape_cast %swap3A_95 : vector<1x16xf32> to vector<16xf32>
      %swap3A_97 = vector.shape_cast %get3A_92 : vector<16xf32> to vector<1x16xf32>
      tpu.vector_store %arg8[%swap3A_93, %swap3A_94], %swap3A_97 {strides = array<i32>} : memref<80x128xf32, #tpu.memory_space<vmem>>, vector<1x16xf32>,
      %add3A_98 = arith.constant 0 : i32
      %add3A_99 = arith.addi %scan3A_76, %add3A_98 : i32
      %get3A_100 = arith.index_cast %add3A_99 : i32 to index
      %get3A_101 = arith.constant 32 : index
      %get3A_102 = tpu.vector_load %arg7[%get3A_100, %get3A_101] {strides = array<i32>} : memref<200x128xf32, #tpu.memory_space<vmem>>, vector<1x16xf32>,
      %get3A_103 = vector.shape_cast %get3A_102 : vector<1x16xf32> to vector<16xf32>
      %swap3A_104 = arith.index_cast %scan3A_76 : i32 to index
      %swap3A_105 = arith.constant 32 : index
      %swap3A_106 = tpu.vector_load %arg8[%swap3A_104, %swap3A_105] {strides = array<i32>} : memref<80x128xf32, #tpu.memory_space<vmem>>, vector<1x16xf32>,
      %swap3A_107 = vector.shape_cast %swap3A_106 : vector<1x16xf32> to vector<16xf32>
      %swap3A_108 = vector.shape_cast %get3A_103 : vector<16xf32> to vector<1x16xf32>
      tpu.vector_store %arg8[%swap3A_104, %swap3A_105], %swap3A_108 {strides = array<i32>} : memref<80x128xf32, #tpu.memory_space<vmem>>, vector<1x16xf32>,
      %add3A_109 = arith.constant 0 : i32
      %add3A_110 = arith.addi %scan3A_76, %add3A_109 : i32
      %get3A_111 = arith.index_cast %add3A_110 : i32 to index
      %get3A_112 = arith.constant 48 : index
      %get3A_113 = tpu.vector_load %arg7[%get3A_111, %get3A_112] {strides = array<i32>} : memref<200x128xf32, #tpu.memory_space<vmem>>, vector<1x16xf32>,
      %get3A_114 = vector.shape_cast %get3A_113 : vector<1x16xf32> to vector<16xf32>
      %swap3A_115 = arith.index_cast %scan3A_76 : i32 to index
      %swap3A_116 = arith.constant 48 : index
      %swap3A_117 = tpu.vector_load %arg8[%swap3A_115, %swap3A_116] {strides = array<i32>} : memref<80x128xf32, #tpu.memory_space<vmem>>, vector<1x16xf32>,
      %swap3A_118 = vector.shape_cast %swap3A_117 : vector<1x16xf32> to vector<16xf32>
      %swap3A_119 = vector.shape_cast %get3A_114 : vector<16xf32> to vector<1x16xf32>
      tpu.vector_store %arg8[%swap3A_115, %swap3A_116], %swap3A_119 {strides = array<i32>} : memref<80x128xf32, #tpu.memory_space<vmem>>, vector<1x16xf32>,
      %add3A_120 = arith.constant 0 : i32
      %add3A_121 = arith.addi %scan3A_76, %add3A_120 : i32
      %get3A_122 = arith.index_cast %add3A_121 : i32 to index
      %get3A_123 = arith.constant 64 : index
      %get3A_124 = tpu.vector_load %arg7[%get3A_122, %get3A_123] {strides = array<i32>} : memref<200x128xf32, #tpu.memory_space<vmem>>, vector<1x16xf32>,
      %get3A_125 = vector.shape_cast %get3A_124 : vector<1x16xf32> to vector<16xf32>
      %swap3A_126 = arith.index_cast %scan3A_76 : i32 to index
      %swap3A_127 = arith.constant 64 : index
      %swap3A_128 = tpu.vector_load %arg8[%swap3A_126, %swap3A_127] {strides = array<i32>} : memref<80x128xf32, #tpu.memory_space<vmem>>, vector<1x16xf32>,
      %swap3A_129 = vector.shape_cast %swap3A_128 : vector<1x16xf32> to vector<16xf32>
      %swap3A_130 = vector.shape_cast %get3A_125 : vector<16xf32> to vector<1x16xf32>
      tpu.vector_store %arg8[%swap3A_126, %swap3A_127], %swap3A_130 {strides = array<i32>} : memref<80x128xf32, #tpu.memory_space<vmem>>, vector<1x16xf32>,
      %add3A_131 = arith.constant 0 : i32
      %add3A_132 = arith.addi %scan3A_76, %add3A_131 : i32
      %get3A_133 = arith.index_cast %add3A_132 : i32 to index
      %get3A_134 = arith.constant 80 : index
      %get3A_135 = tpu.vector_load %arg7[%get3A_133, %get3A_134] {strides = array<i32>} : memref<200x128xf32, #tpu.memory_space<vmem>>, vector<1x16xf32>,
      %get3A_136 = vector.shape_cast %get3A_135 : vector<1x16xf32> to vector<16xf32>
      %swap3A_137 = arith.index_cast %scan3A_76 : i32 to index
      %swap3A_138 = arith.constant 80 : index
      %swap3A_139 = tpu.vector_load %arg8[%swap3A_137, %swap3A_138] {strides = array<i32>} : memref<80x128xf32, #tpu.memory_space<vmem>>, vector<1x16xf32>,
      %swap3A_140 = vector.shape_cast %swap3A_139 : vector<1x16xf32> to vector<16xf32>
      %swap3A_141 = vector.shape_cast %get3A_136 : vector<16xf32> to vector<1x16xf32>
      tpu.vector_store %arg8[%swap3A_137, %swap3A_138], %swap3A_141 {strides = array<i32>} : memref<80x128xf32, #tpu.memory_space<vmem>>, vector<1x16xf32>,
      %add3A_142 = arith.constant 0 : i32
      %add3A_143 = arith.addi %scan3A_76, %add3A_142 : i32
      %get3A_144 = arith.index_cast %add3A_143 : i32 to index
      %get3A_145 = arith.constant 96 : index
      %get3A_146 = tpu.vector_load %arg7[%get3A_144, %get3A_145] {strides = array<i32>} : memref<200x128xf32, #tpu.memory_space<vmem>>, vector<1x16xf32>,
      %get3A_147 = vector.shape_cast %get3A_146 : vector<1x16xf32> to vector<16xf32>
      %swap3A_148 = arith.index_cast %scan3A_76 : i32 to index
      %swap3A_149 = arith.constant 96 : index
      %swap3A_150 = tpu.vector_load %arg8[%swap3A_148, %swap3A_149] {strides = array<i32>} : memref<80x128xf32, #tpu.memory_space<vmem>>, vector<1x16xf32>,
      %swap3A_151 = vector.shape_cast %swap3A_150 : vector<1x16xf32> to vector<16xf32>
      %swap3A_152 = vector.shape_cast %get3A_147 : vector<16xf32> to vector<1x16xf32>
      tpu.vector_store %arg8[%swap3A_148, %swap3A_149], %swap3A_152 {strides = array<i32>} : memref<80x128xf32, #tpu.memory_space<vmem>>, vector<1x16xf32>,
      %add3A_153 = arith.constant 0 : i32
      %add3A_154 = arith.addi %scan3A_76, %add3A_153 : i32
      %get3A_155 = arith.index_cast %add3A_154 : i32 to index
      %get3A_156 = arith.constant 112 : index
      %get3A_157 = tpu.vector_load %arg7[%get3A_155, %get3A_156] {strides = array<i32>} : memref<200x128xf32, #tpu.memory_space<vmem>>, vector<1x16xf32>,
      %get3A_158 = vector.shape_cast %get3A_157 : vector<1x16xf32> to vector<16xf32>
      %swap3A_159 = arith.index_cast %scan3A_76 : i32 to index
      %swap3A_160 = arith.constant 112 : index
      %swap3A_161 = tpu.vector_load %arg8[%swap3A_159, %swap3A_160] {strides = array<i32>} : memref<80x128xf32, #tpu.memory_space<vmem>>, vector<1x16xf32>,
      %swap3A_162 = vector.shape_cast %swap3A_161 : vector<1x16xf32> to vector<16xf32>
      %swap3A_163 = vector.shape_cast %get3A_158 : vector<16xf32> to vector<1x16xf32>
      tpu.vector_store %arg8[%swap3A_159, %swap3A_160], %swap3A_163 {strides = array<i32>} : memref<80x128xf32, #tpu.memory_space<vmem>>, vector<1x16xf32>,
      %scan3A_164 = arith.constant 0 : i32
      scf.yield %scan3A_164 : i32
    }
    %scan3A_8 = arith.constant 80 : i32
    %dma_start3A = arith.constant 0 : i32
    %dma_start3A_9 = arith.constant 0 : i32
    %dma_start3A_10 = tpu.memref_slice %arg6[%dma_start3A, %dma_start3A_9] : memref<80x80xi32, #tpu.memory_space<vmem>> -> memref<1x80xi32, #tpu.memory_space<vmem>>
    %dma_start3A_11 = tpu.memref_squeeze %dma_start3A_10 : memref<1x80xi32, #tpu.memory_space<vmem>> -> memref<80xi32, #tpu.memory_space<vmem>>
    %dma_start3A_12 = arith.constant 0 : i32
    %dma_start3A_13 = arith.constant 0 : i32
    %dma_start3A_14 = tpu.memref_slice %arg3[%dma_start3A_12, %dma_start3A_13] : memref<100005x128xf32, #tpu.memory_space<hbm>> -> memref<100005x128xf32, #tpu.memory_space<hbm>>
    tpu.enqueue_indirect_dma source(%dma_start3A_14 : memref<100005x128xf32, #tpu.memory_space<hbm>>) target(%arg8 : memref<80x128xf32, #tpu.memory_space<vmem>>) offsets(%dma_start3A_11 : memref<80xi32, #tpu.memory_space<vmem>>) semaphore(%arg13 : memref<!tpu.dma_semaphore, #tpu.memory_space<semaphore_mem>>) {add = true}
    %scan3A_15 = arith.constant 0 : i32
    %scan3A_16 = arith.constant 0 : i32
    %scan3A_17 = arith.constant 80 : i32
    %scan3A_18 = arith.addi %scan3A_16, %scan3A_17 : i32
    %scan3A_19 = arith.constant 1 : i32
    %scan3A_20 = scf.for %scan3A_76 = %scan3A_16 to %scan3A_18 step %scan3A_19 iter_args(%scan3A_77 = %scan3A_15) -> (i32)  : i32 {
      %add3A_78 = arith.constant 80 : i32
      %add3A_79 = arith.addi %scan3A_76, %add3A_78 : i32
      %get3A = arith.index_cast %add3A_79 : i32 to index
      %get3A_80 = arith.constant 0 : index
      %get3A_81 = tpu.vector_load %arg7[%get3A, %get3A_80] {strides = array<i32>} : memref<200x128xf32, #tpu.memory_space<vmem>>, vector<1x16xf32>,
      %get3A_82 = vector.shape_cast %get3A_81 : vector<1x16xf32> to vector<16xf32>
      %swap3A = arith.index_cast %scan3A_76 : i32 to index
      %swap3A_83 = arith.constant 0 : index
      %swap3A_84 = tpu.vector_load %arg9[%swap3A, %swap3A_83] {strides = array<i32>} : memref<80x128xf32, #tpu.memory_space<vmem>>, vector<1x16xf32>,
      %swap3A_85 = vector.shape_cast %swap3A_84 : vector<1x16xf32> to vector<16xf32>
      %swap3A_86 = vector.shape_cast %get3A_82 : vector<16xf32> to vector<1x16xf32>
      tpu.vector_store %arg9[%swap3A, %swap3A_83], %swap3A_86 {strides = array<i32>} : memref<80x128xf32, #tpu.memory_space<vmem>>, vector<1x16xf32>,
      %add3A_87 = arith.constant 80 : i32
      %add3A_88 = arith.addi %scan3A_76, %add3A_87 : i32
      %get3A_89 = arith.index_cast %add3A_88 : i32 to index
      %get3A_90 = arith.constant 16 : index
      %get3A_91 = tpu.vector_load %arg7[%get3A_89, %get3A_90] {strides = array<i32>} : memref<200x128xf32, #tpu.memory_space<vmem>>, vector<1x16xf32>,
      %get3A_92 = vector.shape_cast %get3A_91 : vector<1x16xf32> to vector<16xf32>
      %swap3A_93 = arith.index_cast %scan3A_76 : i32 to index
      %swap3A_94 = arith.constant 16 : index
      %swap3A_95 = tpu.vector_load %arg9[%swap3A_93, %swap3A_94] {strides = array<i32>} : memref<80x128xf32, #tpu.memory_space<vmem>>, vector<1x16xf32>,
      %swap3A_96 = vector.shape_cast %swap3A_95 : vector<1x16xf32> to vector<16xf32>
      %swap3A_97 = vector.shape_cast %get3A_92 : vector<16xf32> to vector<1x16xf32>
      tpu.vector_store %arg9[%swap3A_93, %swap3A_94], %swap3A_97 {strides = array<i32>} : memref<80x128xf32, #tpu.memory_space<vmem>>, vector<1x16xf32>,
      %add3A_98 = arith.constant 80 : i32
      %add3A_99 = arith.addi %scan3A_76, %add3A_98 : i32
      %get3A_100 = arith.index_cast %add3A_99 : i32 to index
      %get3A_101 = arith.constant 32 : index
      %get3A_102 = tpu.vector_load %arg7[%get3A_100, %get3A_101] {strides = array<i32>} : memref<200x128xf32, #tpu.memory_space<vmem>>, vector<1x16xf32>,
      %get3A_103 = vector.shape_cast %get3A_102 : vector<1x16xf32> to vector<16xf32>
      %swap3A_104 = arith.index_cast %scan3A_76 : i32 to index
      %swap3A_105 = arith.constant 32 : index
      %swap3A_106 = tpu.vector_load %arg9[%swap3A_104, %swap3A_105] {strides = array<i32>} : memref<80x128xf32, #tpu.memory_space<vmem>>, vector<1x16xf32>,
      %swap3A_107 = vector.shape_cast %swap3A_106 : vector<1x16xf32> to vector<16xf32>
      %swap3A_108 = vector.shape_cast %get3A_103 : vector<16xf32> to vector<1x16xf32>
      tpu.vector_store %arg9[%swap3A_104, %swap3A_105], %swap3A_108 {strides = array<i32>} : memref<80x128xf32, #tpu.memory_space<vmem>>, vector<1x16xf32>,
      %add3A_109 = arith.constant 80 : i32
      %add3A_110 = arith.addi %scan3A_76, %add3A_109 : i32
      %get3A_111 = arith.index_cast %add3A_110 : i32 to index
      %get3A_112 = arith.constant 48 : index
      %get3A_113 = tpu.vector_load %arg7[%get3A_111, %get3A_112] {strides = array<i32>} : memref<200x128xf32, #tpu.memory_space<vmem>>, vector<1x16xf32>,
      %get3A_114 = vector.shape_cast %get3A_113 : vector<1x16xf32> to vector<16xf32>
      %swap3A_115 = arith.index_cast %scan3A_76 : i32 to index
      %swap3A_116 = arith.constant 48 : index
      %swap3A_117 = tpu.vector_load %arg9[%swap3A_115, %swap3A_116] {strides = array<i32>} : memref<80x128xf32, #tpu.memory_space<vmem>>, vector<1x16xf32>,
      %swap3A_118 = vector.shape_cast %swap3A_117 : vector<1x16xf32> to vector<16xf32>
      %swap3A_119 = vector.shape_cast %get3A_114 : vector<16xf32> to vector<1x16xf32>
      tpu.vector_store %arg9[%swap3A_115, %swap3A_116], %swap3A_119 {strides = array<i32>} : memref<80x128xf32, #tpu.memory_space<vmem>>, vector<1x16xf32>,
      %add3A_120 = arith.constant 80 : i32
      %add3A_121 = arith.addi %scan3A_76, %add3A_120 : i32
      %get3A_122 = arith.index_cast %add3A_121 : i32 to index
      %get3A_123 = arith.constant 64 : index
      %get3A_124 = tpu.vector_load %arg7[%get3A_122, %get3A_123] {strides = array<i32>} : memref<200x128xf32, #tpu.memory_space<vmem>>, vector<1x16xf32>,
      %get3A_125 = vector.shape_cast %get3A_124 : vector<1x16xf32> to vector<16xf32>
      %swap3A_126 = arith.index_cast %scan3A_76 : i32 to index
      %swap3A_127 = arith.constant 64 : index
      %swap3A_128 = tpu.vector_load %arg9[%swap3A_126, %swap3A_127] {strides = array<i32>} : memref<80x128xf32, #tpu.memory_space<vmem>>, vector<1x16xf32>,
      %swap3A_129 = vector.shape_cast %swap3A_128 : vector<1x16xf32> to vector<16xf32>
      %swap3A_130 = vector.shape_cast %get3A_125 : vector<16xf32> to vector<1x16xf32>
      tpu.vector_store %arg9[%swap3A_126, %swap3A_127], %swap3A_130 {strides = array<i32>} : memref<80x128xf32, #tpu.memory_space<vmem>>, vector<1x16xf32>,
      %add3A_131 = arith.constant 80 : i32
      %add3A_132 = arith.addi %scan3A_76, %add3A_131 : i32
      %get3A_133 = arith.index_cast %add3A_132 : i32 to index
      %get3A_134 = arith.constant 80 : index
      %get3A_135 = tpu.vector_load %arg7[%get3A_133, %get3A_134] {strides = array<i32>} : memref<200x128xf32, #tpu.memory_space<vmem>>, vector<1x16xf32>,
      %get3A_136 = vector.shape_cast %get3A_135 : vector<1x16xf32> to vector<16xf32>
      %swap3A_137 = arith.index_cast %scan3A_76 : i32 to index
      %swap3A_138 = arith.constant 80 : index
      %swap3A_139 = tpu.vector_load %arg9[%swap3A_137, %swap3A_138] {strides = array<i32>} : memref<80x128xf32, #tpu.memory_space<vmem>>, vector<1x16xf32>,
      %swap3A_140 = vector.shape_cast %swap3A_139 : vector<1x16xf32> to vector<16xf32>
      %swap3A_141 = vector.shape_cast %get3A_136 : vector<16xf32> to vector<1x16xf32>
      tpu.vector_store %arg9[%swap3A_137, %swap3A_138], %swap3A_141 {strides = array<i32>} : memref<80x128xf32, #tpu.memory_space<vmem>>, vector<1x16xf32>,
      %add3A_142 = arith.constant 80 : i32
      %add3A_143 = arith.addi %scan3A_76, %add3A_142 : i32
      %get3A_144 = arith.index_cast %add3A_143 : i32 to index
      %get3A_145 = arith.constant 96 : index
      %get3A_146 = tpu.vector_load %arg7[%get3A_144, %get3A_145] {strides = array<i32>} : memref<200x128xf32, #tpu.memory_space<vmem>>, vector<1x16xf32>,
      %get3A_147 = vector.shape_cast %get3A_146 : vector<1x16xf32> to vector<16xf32>
      %swap3A_148 = arith.index_cast %scan3A_76 : i32 to index
      %swap3A_149 = arith.constant 96 : index
      %swap3A_150 = tpu.vector_load %arg9[%swap3A_148, %swap3A_149] {strides = array<i32>} : memref<80x128xf32, #tpu.memory_space<vmem>>, vector<1x16xf32>,
      %swap3A_151 = vector.shape_cast %swap3A_150 : vector<1x16xf32> to vector<16xf32>
      %swap3A_152 = vector.shape_cast %get3A_147 : vector<16xf32> to vector<1x16xf32>
      tpu.vector_store %arg9[%swap3A_148, %swap3A_149], %swap3A_152 {strides = array<i32>} : memref<80x128xf32, #tpu.memory_space<vmem>>, vector<1x16xf32>,
      %add3A_153 = arith.constant 80 : i32
      %add3A_154 = arith.addi %scan3A_76, %add3A_153 : i32
      %get3A_155 = arith.index_cast %add3A_154 : i32 to index
      %get3A_156 = arith.constant 112 : index
      %get3A_157 = tpu.vector_load %arg7[%get3A_155, %get3A_156] {strides = array<i32>} : memref<200x128xf32, #tpu.memory_space<vmem>>, vector<1x16xf32>,
      %get3A_158 = vector.shape_cast %get3A_157 : vector<1x16xf32> to vector<16xf32>
      %swap3A_159 = arith.index_cast %scan3A_76 : i32 to index
      %swap3A_160 = arith.constant 112 : index
      %swap3A_161 = tpu.vector_load %arg9[%swap3A_159, %swap3A_160] {strides = array<i32>} : memref<80x128xf32, #tpu.memory_space<vmem>>, vector<1x16xf32>,
      %swap3A_162 = vector.shape_cast %swap3A_161 : vector<1x16xf32> to vector<16xf32>
      %swap3A_163 = vector.shape_cast %get3A_158 : vector<16xf32> to vector<1x16xf32>
      tpu.vector_store %arg9[%swap3A_159, %swap3A_160], %swap3A_163 {strides = array<i32>} : memref<80x128xf32, #tpu.memory_space<vmem>>, vector<1x16xf32>,
      %scan3A_164 = arith.constant 0 : i32
      scf.yield %scan3A_164 : i32
    }
    %scan3A_21 = arith.constant 80 : i32
    %dma_start3A_22 = arith.constant 1 : i32
    %dma_start3A_23 = arith.constant 0 : i32
    %dma_start3A_24 = tpu.memref_slice %arg6[%dma_start3A_22, %dma_start3A_23] : memref<80x80xi32, #tpu.memory_space<vmem>> -> memref<1x80xi32, #tpu.memory_space<vmem>>
    %dma_start3A_25 = tpu.memref_squeeze %dma_start3A_24 : memref<1x80xi32, #tpu.memory_space<vmem>> -> memref<80xi32, #tpu.memory_space<vmem>>
    %dma_start3A_26 = arith.constant 0 : i32
    %dma_start3A_27 = arith.constant 0 : i32
    %dma_start3A_28 = tpu.memref_slice %arg3[%dma_start3A_26, %dma_start3A_27] : memref<100005x128xf32, #tpu.memory_space<hbm>> -> memref<100005x128xf32, #tpu.memory_space<hbm>>
    tpu.enqueue_indirect_dma source(%dma_start3A_28 : memref<100005x128xf32, #tpu.memory_space<hbm>>) target(%arg9 : memref<80x128xf32, #tpu.memory_space<vmem>>) offsets(%dma_start3A_25 : memref<80xi32, #tpu.memory_space<vmem>>) semaphore(%arg14 : memref<!tpu.dma_semaphore, #tpu.memory_space<semaphore_mem>>) {add = true}
    %scan3A_29 = arith.constant 0 : i32
    %scan3A_30 = arith.constant 0 : i32
    %scan3A_31 = arith.constant 40 : i32
    %scan3A_32 = arith.addi %scan3A_30, %scan3A_31 : i32
    %scan3A_33 = arith.constant 1 : i32
    %scan3A_34 = scf.for %scan3A_76 = %scan3A_30 to %scan3A_32 step %scan3A_33 iter_args(%scan3A_77 = %scan3A_29) -> (i32)  : i32 {
      %add3A_78 = arith.constant 160 : i32
      %add3A_79 = arith.addi %scan3A_76, %add3A_78 : i32
      %get3A = arith.index_cast %add3A_79 : i32 to index
      %get3A_80 = arith.constant 0 : index
      %get3A_81 = tpu.vector_load %arg7[%get3A, %get3A_80] {strides = array<i32>} : memref<200x128xf32, #tpu.memory_space<vmem>>, vector<1x16xf32>,
      %get3A_82 = vector.shape_cast %get3A_81 : vector<1x16xf32> to vector<16xf32>
      %swap3A = arith.index_cast %scan3A_76 : i32 to index
      %swap3A_83 = arith.constant 0 : index
      %swap3A_84 = tpu.vector_load %arg10[%swap3A, %swap3A_83] {strides = array<i32>} : memref<80x128xf32, #tpu.memory_space<vmem>>, vector<1x16xf32>,
      %swap3A_85 = vector.shape_cast %swap3A_84 : vector<1x16xf32> to vector<16xf32>
      %swap3A_86 = vector.shape_cast %get3A_82 : vector<16xf32> to vector<1x16xf32>
      tpu.vector_store %arg10[%swap3A, %swap3A_83], %swap3A_86 {strides = array<i32>} : memref<80x128xf32, #tpu.memory_space<vmem>>, vector<1x16xf32>,
      %add3A_87 = arith.constant 160 : i32
      %add3A_88 = arith.addi %scan3A_76, %add3A_87 : i32
      %get3A_89 = arith.index_cast %add3A_88 : i32 to index
      %get3A_90 = arith.constant 16 : index
      %get3A_91 = tpu.vector_load %arg7[%get3A_89, %get3A_90] {strides = array<i32>} : memref<200x128xf32, #tpu.memory_space<vmem>>, vector<1x16xf32>,
      %get3A_92 = vector.shape_cast %get3A_91 : vector<1x16xf32> to vector<16xf32>
      %swap3A_93 = arith.index_cast %scan3A_76 : i32 to index
      %swap3A_94 = arith.constant 16 : index
      %swap3A_95 = tpu.vector_load %arg10[%swap3A_93, %swap3A_94] {strides = array<i32>} : memref<80x128xf32, #tpu.memory_space<vmem>>, vector<1x16xf32>,
      %swap3A_96 = vector.shape_cast %swap3A_95 : vector<1x16xf32> to vector<16xf32>
      %swap3A_97 = vector.shape_cast %get3A_92 : vector<16xf32> to vector<1x16xf32>
      tpu.vector_store %arg10[%swap3A_93, %swap3A_94], %swap3A_97 {strides = array<i32>} : memref<80x128xf32, #tpu.memory_space<vmem>>, vector<1x16xf32>,
      %add3A_98 = arith.constant 160 : i32
      %add3A_99 = arith.addi %scan3A_76, %add3A_98 : i32
      %get3A_100 = arith.index_cast %add3A_99 : i32 to index
      %get3A_101 = arith.constant 32 : index
      %get3A_102 = tpu.vector_load %arg7[%get3A_100, %get3A_101] {strides = array<i32>} : memref<200x128xf32, #tpu.memory_space<vmem>>, vector<1x16xf32>,
      %get3A_103 = vector.shape_cast %get3A_102 : vector<1x16xf32> to vector<16xf32>
      %swap3A_104 = arith.index_cast %scan3A_76 : i32 to index
      %swap3A_105 = arith.constant 32 : index
      %swap3A_106 = tpu.vector_load %arg10[%swap3A_104, %swap3A_105] {strides = array<i32>} : memref<80x128xf32, #tpu.memory_space<vmem>>, vector<1x16xf32>,
      %swap3A_107 = vector.shape_cast %swap3A_106 : vector<1x16xf32> to vector<16xf32>
      %swap3A_108 = vector.shape_cast %get3A_103 : vector<16xf32> to vector<1x16xf32>
      tpu.vector_store %arg10[%swap3A_104, %swap3A_105], %swap3A_108 {strides = array<i32>} : memref<80x128xf32, #tpu.memory_space<vmem>>, vector<1x16xf32>,
      %add3A_109 = arith.constant 160 : i32
      %add3A_110 = arith.addi %scan3A_76, %add3A_109 : i32
      %get3A_111 = arith.index_cast %add3A_110 : i32 to index
      %get3A_112 = arith.constant 48 : index
      %get3A_113 = tpu.vector_load %arg7[%get3A_111, %get3A_112] {strides = array<i32>} : memref<200x128xf32, #tpu.memory_space<vmem>>, vector<1x16xf32>,
      %get3A_114 = vector.shape_cast %get3A_113 : vector<1x16xf32> to vector<16xf32>
      %swap3A_115 = arith.index_cast %scan3A_76 : i32 to index
      %swap3A_116 = arith.constant 48 : index
      %swap3A_117 = tpu.vector_load %arg10[%swap3A_115, %swap3A_116] {strides = array<i32>} : memref<80x128xf32, #tpu.memory_space<vmem>>, vector<1x16xf32>,
      %swap3A_118 = vector.shape_cast %swap3A_117 : vector<1x16xf32> to vector<16xf32>
      %swap3A_119 = vector.shape_cast %get3A_114 : vector<16xf32> to vector<1x16xf32>
      tpu.vector_store %arg10[%swap3A_115, %swap3A_116], %swap3A_119 {strides = array<i32>} : memref<80x128xf32, #tpu.memory_space<vmem>>, vector<1x16xf32>,
      %add3A_120 = arith.constant 160 : i32
      %add3A_121 = arith.addi %scan3A_76, %add3A_120 : i32
      %get3A_122 = arith.index_cast %add3A_121 : i32 to index
      %get3A_123 = arith.constant 64 : index
      %get3A_124 = tpu.vector_load %arg7[%get3A_122, %get3A_123] {strides = array<i32>} : memref<200x128xf32, #tpu.memory_space<vmem>>, vector<1x16xf32>,
      %get3A_125 = vector.shape_cast %get3A_124 : vector<1x16xf32> to vector<16xf32>
      %swap3A_126 = arith.index_cast %scan3A_76 : i32 to index
      %swap3A_127 = arith.constant 64 : index
      %swap3A_128 = tpu.vector_load %arg10[%swap3A_126, %swap3A_127] {strides = array<i32>} : memref<80x128xf32, #tpu.memory_space<vmem>>, vector<1x16xf32>,
      %swap3A_129 = vector.shape_cast %swap3A_128 : vector<1x16xf32> to vector<16xf32>
      %swap3A_130 = vector.shape_cast %get3A_125 : vector<16xf32> to vector<1x16xf32>
      tpu.vector_store %arg10[%swap3A_126, %swap3A_127], %swap3A_130 {strides = array<i32>} : memref<80x128xf32, #tpu.memory_space<vmem>>, vector<1x16xf32>,
      %add3A_131 = arith.constant 160 : i32
      %add3A_132 = arith.addi %scan3A_76, %add3A_131 : i32
      %get3A_133 = arith.index_cast %add3A_132 : i32 to index
      %get3A_134 = arith.constant 80 : index
      %get3A_135 = tpu.vector_load %arg7[%get3A_133, %get3A_134] {strides = array<i32>} : memref<200x128xf32, #tpu.memory_space<vmem>>, vector<1x16xf32>,
      %get3A_136 = vector.shape_cast %get3A_135 : vector<1x16xf32> to vector<16xf32>
      %swap3A_137 = arith.index_cast %scan3A_76 : i32 to index
      %swap3A_138 = arith.constant 80 : index
      %swap3A_139 = tpu.vector_load %arg10[%swap3A_137, %swap3A_138] {strides = array<i32>} : memref<80x128xf32, #tpu.memory_space<vmem>>, vector<1x16xf32>,
      %swap3A_140 = vector.shape_cast %swap3A_139 : vector<1x16xf32> to vector<16xf32>
      %swap3A_141 = vector.shape_cast %get3A_136 : vector<16xf32> to vector<1x16xf32>
      tpu.vector_store %arg10[%swap3A_137, %swap3A_138], %swap3A_141 {strides = array<i32>} : memref<80x128xf32, #tpu.memory_space<vmem>>, vector<1x16xf32>,
      %add3A_142 = arith.constant 160 : i32
      %add3A_143 = arith.addi %scan3A_76, %add3A_142 : i32
      %get3A_144 = arith.index_cast %add3A_143 : i32 to index
      %get3A_145 = arith.constant 96 : index
      %get3A_146 = tpu.vector_load %arg7[%get3A_144, %get3A_145] {strides = array<i32>} : memref<200x128xf32, #tpu.memory_space<vmem>>, vector<1x16xf32>,
      %get3A_147 = vector.shape_cast %get3A_146 : vector<1x16xf32> to vector<16xf32>
      %swap3A_148 = arith.index_cast %scan3A_76 : i32 to index
      %swap3A_149 = arith.constant 96 : index
      %swap3A_150 = tpu.vector_load %arg10[%swap3A_148, %swap3A_149] {strides = array<i32>} : memref<80x128xf32, #tpu.memory_space<vmem>>, vector<1x16xf32>,
      %swap3A_151 = vector.shape_cast %swap3A_150 : vector<1x16xf32> to vector<16xf32>
      %swap3A_152 = vector.shape_cast %get3A_147 : vector<16xf32> to vector<1x16xf32>
      tpu.vector_store %arg10[%swap3A_148, %swap3A_149], %swap3A_152 {strides = array<i32>} : memref<80x128xf32, #tpu.memory_space<vmem>>, vector<1x16xf32>,
      %add3A_153 = arith.constant 160 : i32
      %add3A_154 = arith.addi %scan3A_76, %add3A_153 : i32
      %get3A_155 = arith.index_cast %add3A_154 : i32 to index
      %get3A_156 = arith.constant 112 : index
      %get3A_157 = tpu.vector_load %arg7[%get3A_155, %get3A_156] {strides = array<i32>} : memref<200x128xf32, #tpu.memory_space<vmem>>, vector<1x16xf32>,
      %get3A_158 = vector.shape_cast %get3A_157 : vector<1x16xf32> to vector<16xf32>
      %swap3A_159 = arith.index_cast %scan3A_76 : i32 to index
      %swap3A_160 = arith.constant 112 : index
      %swap3A_161 = tpu.vector_load %arg10[%swap3A_159, %swap3A_160] {strides = array<i32>} : memref<80x128xf32, #tpu.memory_space<vmem>>, vector<1x16xf32>,
      %swap3A_162 = vector.shape_cast %swap3A_161 : vector<1x16xf32> to vector<16xf32>
      %swap3A_163 = vector.shape_cast %get3A_158 : vector<16xf32> to vector<1x16xf32>
      tpu.vector_store %arg10[%swap3A_159, %swap3A_160], %swap3A_163 {strides = array<i32>} : memref<80x128xf32, #tpu.memory_space<vmem>>, vector<1x16xf32>,
      %scan3A_164 = arith.constant 0 : i32
      scf.yield %scan3A_164 : i32
    }
    %scan3A_35 = arith.constant 40 : i32
    %scan3A_36 = arith.constant 0 : i32
    %scan3A_37 = arith.constant 40 : i32
    %scan3A_38 = arith.constant 40 : i32
    %scan3A_39 = arith.addi %scan3A_37, %scan3A_38 : i32
    %scan3A_40 = arith.constant 1 : i32
    %scan3A_41 = scf.for %scan3A_76 = %scan3A_37 to %scan3A_39 step %scan3A_40 iter_args(%scan3A_77 = %scan3A_36) -> (i32)  : i32 {
      %add3A_78 = arith.constant -40 : i32
      %add3A_79 = arith.addi %scan3A_76, %add3A_78 : i32
      %get3A = arith.index_cast %add3A_79 : i32 to index
      %get3A_80 = arith.constant 0 : index
      %get3A_81 = tpu.vector_load %arg7[%get3A, %get3A_80] {strides = array<i32>} : memref<200x128xf32, #tpu.memory_space<vmem>>, vector<1x16xf32>,
      %get3A_82 = vector.shape_cast %get3A_81 : vector<1x16xf32> to vector<16xf32>
      %swap3A = arith.index_cast %scan3A_76 : i32 to index
      %swap3A_83 = arith.constant 0 : index
      %swap3A_84 = tpu.vector_load %arg10[%swap3A, %swap3A_83] {strides = array<i32>} : memref<80x128xf32, #tpu.memory_space<vmem>>, vector<1x16xf32>,
      %swap3A_85 = vector.shape_cast %swap3A_84 : vector<1x16xf32> to vector<16xf32>
      %swap3A_86 = vector.shape_cast %get3A_82 : vector<16xf32> to vector<1x16xf32>
      tpu.vector_store %arg10[%swap3A, %swap3A_83], %swap3A_86 {strides = array<i32>} : memref<80x128xf32, #tpu.memory_space<vmem>>, vector<1x16xf32>,
      %add3A_87 = arith.constant -40 : i32
      %add3A_88 = arith.addi %scan3A_76, %add3A_87 : i32
      %get3A_89 = arith.index_cast %add3A_88 : i32 to index
      %get3A_90 = arith.constant 16 : index
      %get3A_91 = tpu.vector_load %arg7[%get3A_89, %get3A_90] {strides = array<i32>} : memref<200x128xf32, #tpu.memory_space<vmem>>, vector<1x16xf32>,
      %get3A_92 = vector.shape_cast %get3A_91 : vector<1x16xf32> to vector<16xf32>
      %swap3A_93 = arith.index_cast %scan3A_76 : i32 to index
      %swap3A_94 = arith.constant 16 : index
      %swap3A_95 = tpu.vector_load %arg10[%swap3A_93, %swap3A_94] {strides = array<i32>} : memref<80x128xf32, #tpu.memory_space<vmem>>, vector<1x16xf32>,
      %swap3A_96 = vector.shape_cast %swap3A_95 : vector<1x16xf32> to vector<16xf32>
      %swap3A_97 = vector.shape_cast %get3A_92 : vector<16xf32> to vector<1x16xf32>
      tpu.vector_store %arg10[%swap3A_93, %swap3A_94], %swap3A_97 {strides = array<i32>} : memref<80x128xf32, #tpu.memory_space<vmem>>, vector<1x16xf32>,
      %add3A_98 = arith.constant -40 : i32
      %add3A_99 = arith.addi %scan3A_76, %add3A_98 : i32
      %get3A_100 = arith.index_cast %add3A_99 : i32 to index
      %get3A_101 = arith.constant 32 : index
      %get3A_102 = tpu.vector_load %arg7[%get3A_100, %get3A_101] {strides = array<i32>} : memref<200x128xf32, #tpu.memory_space<vmem>>, vector<1x16xf32>,
      %get3A_103 = vector.shape_cast %get3A_102 : vector<1x16xf32> to vector<16xf32>
      %swap3A_104 = arith.index_cast %scan3A_76 : i32 to index
      %swap3A_105 = arith.constant 32 : index
      %swap3A_106 = tpu.vector_load %arg10[%swap3A_104, %swap3A_105] {strides = array<i32>} : memref<80x128xf32, #tpu.memory_space<vmem>>, vector<1x16xf32>,
      %swap3A_107 = vector.shape_cast %swap3A_106 : vector<1x16xf32> to vector<16xf32>
      %swap3A_108 = vector.shape_cast %get3A_103 : vector<16xf32> to vector<1x16xf32>
      tpu.vector_store %arg10[%swap3A_104, %swap3A_105], %swap3A_108 {strides = array<i32>} : memref<80x128xf32, #tpu.memory_space<vmem>>, vector<1x16xf32>,
      %add3A_109 = arith.constant -40 : i32
      %add3A_110 = arith.addi %scan3A_76, %add3A_109 : i32
      %get3A_111 = arith.index_cast %add3A_110 : i32 to index
      %get3A_112 = arith.constant 48 : index
      %get3A_113 = tpu.vector_load %arg7[%get3A_111, %get3A_112] {strides = array<i32>} : memref<200x128xf32, #tpu.memory_space<vmem>>, vector<1x16xf32>,
      %get3A_114 = vector.shape_cast %get3A_113 : vector<1x16xf32> to vector<16xf32>
      %swap3A_115 = arith.index_cast %scan3A_76 : i32 to index
      %swap3A_116 = arith.constant 48 : index
      %swap3A_117 = tpu.vector_load %arg10[%swap3A_115, %swap3A_116] {strides = array<i32>} : memref<80x128xf32, #tpu.memory_space<vmem>>, vector<1x16xf32>,
      %swap3A_118 = vector.shape_cast %swap3A_117 : vector<1x16xf32> to vector<16xf32>
      %swap3A_119 = vector.shape_cast %get3A_114 : vector<16xf32> to vector<1x16xf32>
      tpu.vector_store %arg10[%swap3A_115, %swap3A_116], %swap3A_119 {strides = array<i32>} : memref<80x128xf32, #tpu.memory_space<vmem>>, vector<1x16xf32>,
      %add3A_120 = arith.constant -40 : i32
      %add3A_121 = arith.addi %scan3A_76, %add3A_120 : i32
      %get3A_122 = arith.index_cast %add3A_121 : i32 to index
      %get3A_123 = arith.constant 64 : index
      %get3A_124 = tpu.vector_load %arg7[%get3A_122, %get3A_123] {strides = array<i32>} : memref<200x128xf32, #tpu.memory_space<vmem>>, vector<1x16xf32>,
      %get3A_125 = vector.shape_cast %get3A_124 : vector<1x16xf32> to vector<16xf32>
      %swap3A_126 = arith.index_cast %scan3A_76 : i32 to index
      %swap3A_127 = arith.constant 64 : index
      %swap3A_128 = tpu.vector_load %arg10[%swap3A_126, %swap3A_127] {strides = array<i32>} : memref<80x128xf32, #tpu.memory_space<vmem>>, vector<1x16xf32>,
      %swap3A_129 = vector.shape_cast %swap3A_128 : vector<1x16xf32> to vector<16xf32>
      %swap3A_130 = vector.shape_cast %get3A_125 : vector<16xf32> to vector<1x16xf32>
      tpu.vector_store %arg10[%swap3A_126, %swap3A_127], %swap3A_130 {strides = array<i32>} : memref<80x128xf32, #tpu.memory_space<vmem>>, vector<1x16xf32>,
      %add3A_131 = arith.constant -40 : i32
      %add3A_132 = arith.addi %scan3A_76, %add3A_131 : i32
      %get3A_133 = arith.index_cast %add3A_132 : i32 to index
      %get3A_134 = arith.constant 80 : index
      %get3A_135 = tpu.vector_load %arg7[%get3A_133, %get3A_134] {strides = array<i32>} : memref<200x128xf32, #tpu.memory_space<vmem>>, vector<1x16xf32>,
      %get3A_136 = vector.shape_cast %get3A_135 : vector<1x16xf32> to vector<16xf32>
      %swap3A_137 = arith.index_cast %scan3A_76 : i32 to index
      %swap3A_138 = arith.constant 80 : index
      %swap3A_139 = tpu.vector_load %arg10[%swap3A_137, %swap3A_138] {strides = array<i32>} : memref<80x128xf32, #tpu.memory_space<vmem>>, vector<1x16xf32>,
      %swap3A_140 = vector.shape_cast %swap3A_139 : vector<1x16xf32> to vector<16xf32>
      %swap3A_141 = vector.shape_cast %get3A_136 : vector<16xf32> to vector<1x16xf32>
      tpu.vector_store %arg10[%swap3A_137, %swap3A_138], %swap3A_141 {strides = array<i32>} : memref<80x128xf32, #tpu.memory_space<vmem>>, vector<1x16xf32>,
      %add3A_142 = arith.constant -40 : i32
      %add3A_143 = arith.addi %scan3A_76, %add3A_142 : i32
      %get3A_144 = arith.index_cast %add3A_143 : i32 to index
      %get3A_145 = arith.constant 96 : index
      %get3A_146 = tpu.vector_load %arg7[%get3A_144, %get3A_145] {strides = array<i32>} : memref<200x128xf32, #tpu.memory_space<vmem>>, vector<1x16xf32>,
      %get3A_147 = vector.shape_cast %get3A_146 : vector<1x16xf32> to vector<16xf32>
      %swap3A_148 = arith.index_cast %scan3A_76 : i32 to index
      %swap3A_149 = arith.constant 96 : index
      %swap3A_150 = tpu.vector_load %arg10[%swap3A_148, %swap3A_149] {strides = array<i32>} : memref<80x128xf32, #tpu.memory_space<vmem>>, vector<1x16xf32>,
      %swap3A_151 = vector.shape_cast %swap3A_150 : vector<1x16xf32> to vector<16xf32>
      %swap3A_152 = vector.shape_cast %get3A_147 : vector<16xf32> to vector<1x16xf32>
      tpu.vector_store %arg10[%swap3A_148, %swap3A_149], %swap3A_152 {strides = array<i32>} : memref<80x128xf32, #tpu.memory_space<vmem>>, vector<1x16xf32>,
      %add3A_153 = arith.constant -40 : i32
      %add3A_154 = arith.addi %scan3A_76, %add3A_153 : i32
      %get3A_155 = arith.index_cast %add3A_154 : i32 to index
      %get3A_156 = arith.constant 112 : index
      %get3A_157 = tpu.vector_load %arg7[%get3A_155, %get3A_156] {strides = array<i32>} : memref<200x128xf32, #tpu.memory_space<vmem>>, vector<1x16xf32>,
      %get3A_158 = vector.shape_cast %get3A_157 : vector<1x16xf32> to vector<16xf32>
      %swap3A_159 = arith.index_cast %scan3A_76 : i32 to index
      %swap3A_160 = arith.constant 112 : index
      %swap3A_161 = tpu.vector_load %arg10[%swap3A_159, %swap3A_160] {strides = array<i32>} : memref<80x128xf32, #tpu.memory_space<vmem>>, vector<1x16xf32>,
      %swap3A_162 = vector.shape_cast %swap3A_161 : vector<1x16xf32> to vector<16xf32>
      %swap3A_163 = vector.shape_cast %get3A_158 : vector<16xf32> to vector<1x16xf32>
      tpu.vector_store %arg10[%swap3A_159, %swap3A_160], %swap3A_163 {strides = array<i32>} : memref<80x128xf32, #tpu.memory_space<vmem>>, vector<1x16xf32>,
      %scan3A_164 = arith.constant 0 : i32
      scf.yield %scan3A_164 : i32
    }
    %scan3A_42 = arith.constant 40 : i32
    %dma_start3A_43 = arith.constant 2 : i32
    %dma_start3A_44 = arith.constant 0 : i32
    %dma_start3A_45 = tpu.memref_slice %arg6[%dma_start3A_43, %dma_start3A_44] : memref<80x80xi32, #tpu.memory_space<vmem>> -> memref<1x80xi32, #tpu.memory_space<vmem>>
    %dma_start3A_46 = tpu.memref_squeeze %dma_start3A_45 : memref<1x80xi32, #tpu.memory_space<vmem>> -> memref<80xi32, #tpu.memory_space<vmem>>
    %dma_start3A_47 = arith.constant 0 : i32
    %dma_start3A_48 = arith.constant 0 : i32
    %dma_start3A_49 = tpu.memref_slice %arg3[%dma_start3A_47, %dma_start3A_48] : memref<100005x128xf32, #tpu.memory_space<hbm>> -> memref<100005x128xf32, #tpu.memory_space<hbm>>
    tpu.enqueue_indirect_dma source(%dma_start3A_49 : memref<100005x128xf32, #tpu.memory_space<hbm>>) target(%arg10 : memref<80x128xf32, #tpu.memory_space<vmem>>) offsets(%dma_start3A_46 : memref<80xi32, #tpu.memory_space<vmem>>) semaphore(%arg15 : memref<!tpu.dma_semaphore, #tpu.memory_space<semaphore_mem>>) {add = true}
    %scan3A_50 = arith.constant 0 : i32
    %scan3A_51 = arith.constant 0 : i32
    %scan3A_52 = arith.constant 80 : i32
    %scan3A_53 = arith.addi %scan3A_51, %scan3A_52 : i32
    %scan3A_54 = arith.constant 1 : i32
    %scan3A_55 = scf.for %scan3A_76 = %scan3A_51 to %scan3A_53 step %scan3A_54 iter_args(%scan3A_77 = %scan3A_50) -> (i32)  : i32 {
      %add3A_78 = arith.constant 40 : i32
      %add3A_79 = arith.addi %scan3A_76, %add3A_78 : i32
      %get3A = arith.index_cast %add3A_79 : i32 to index
      %get3A_80 = arith.constant 0 : index
      %get3A_81 = tpu.vector_load %arg7[%get3A, %get3A_80] {strides = array<i32>} : memref<200x128xf32, #tpu.memory_space<vmem>>, vector<1x16xf32>,
      %get3A_82 = vector.shape_cast %get3A_81 : vector<1x16xf32> to vector<16xf32>
      %swap3A = arith.index_cast %scan3A_76 : i32 to index
      %swap3A_83 = arith.constant 0 : index
      %swap3A_84 = tpu.vector_load %arg11[%swap3A, %swap3A_83] {strides = array<i32>} : memref<80x128xf32, #tpu.memory_space<vmem>>, vector<1x16xf32>,
      %swap3A_85 = vector.shape_cast %swap3A_84 : vector<1x16xf32> to vector<16xf32>
      %swap3A_86 = vector.shape_cast %get3A_82 : vector<16xf32> to vector<1x16xf32>
      tpu.vector_store %arg11[%swap3A, %swap3A_83], %swap3A_86 {strides = array<i32>} : memref<80x128xf32, #tpu.memory_space<vmem>>, vector<1x16xf32>,
      %add3A_87 = arith.constant 40 : i32
      %add3A_88 = arith.addi %scan3A_76, %add3A_87 : i32
      %get3A_89 = arith.index_cast %add3A_88 : i32 to index
      %get3A_90 = arith.constant 16 : index
      %get3A_91 = tpu.vector_load %arg7[%get3A_89, %get3A_90] {strides = array<i32>} : memref<200x128xf32, #tpu.memory_space<vmem>>, vector<1x16xf32>,
      %get3A_92 = vector.shape_cast %get3A_91 : vector<1x16xf32> to vector<16xf32>
      %swap3A_93 = arith.index_cast %scan3A_76 : i32 to index
      %swap3A_94 = arith.constant 16 : index
      %swap3A_95 = tpu.vector_load %arg11[%swap3A_93, %swap3A_94] {strides = array<i32>} : memref<80x128xf32, #tpu.memory_space<vmem>>, vector<1x16xf32>,
      %swap3A_96 = vector.shape_cast %swap3A_95 : vector<1x16xf32> to vector<16xf32>
      %swap3A_97 = vector.shape_cast %get3A_92 : vector<16xf32> to vector<1x16xf32>
      tpu.vector_store %arg11[%swap3A_93, %swap3A_94], %swap3A_97 {strides = array<i32>} : memref<80x128xf32, #tpu.memory_space<vmem>>, vector<1x16xf32>,
      %add3A_98 = arith.constant 40 : i32
      %add3A_99 = arith.addi %scan3A_76, %add3A_98 : i32
      %get3A_100 = arith.index_cast %add3A_99 : i32 to index
      %get3A_101 = arith.constant 32 : index
      %get3A_102 = tpu.vector_load %arg7[%get3A_100, %get3A_101] {strides = array<i32>} : memref<200x128xf32, #tpu.memory_space<vmem>>, vector<1x16xf32>,
      %get3A_103 = vector.shape_cast %get3A_102 : vector<1x16xf32> to vector<16xf32>
      %swap3A_104 = arith.index_cast %scan3A_76 : i32 to index
      %swap3A_105 = arith.constant 32 : index
      %swap3A_106 = tpu.vector_load %arg11[%swap3A_104, %swap3A_105] {strides = array<i32>} : memref<80x128xf32, #tpu.memory_space<vmem>>, vector<1x16xf32>,
      %swap3A_107 = vector.shape_cast %swap3A_106 : vector<1x16xf32> to vector<16xf32>
      %swap3A_108 = vector.shape_cast %get3A_103 : vector<16xf32> to vector<1x16xf32>
      tpu.vector_store %arg11[%swap3A_104, %swap3A_105], %swap3A_108 {strides = array<i32>} : memref<80x128xf32, #tpu.memory_space<vmem>>, vector<1x16xf32>,
      %add3A_109 = arith.constant 40 : i32
      %add3A_110 = arith.addi %scan3A_76, %add3A_109 : i32
      %get3A_111 = arith.index_cast %add3A_110 : i32 to index
      %get3A_112 = arith.constant 48 : index
      %get3A_113 = tpu.vector_load %arg7[%get3A_111, %get3A_112] {strides = array<i32>} : memref<200x128xf32, #tpu.memory_space<vmem>>, vector<1x16xf32>,
      %get3A_114 = vector.shape_cast %get3A_113 : vector<1x16xf32> to vector<16xf32>
      %swap3A_115 = arith.index_cast %scan3A_76 : i32 to index
      %swap3A_116 = arith.constant 48 : index
      %swap3A_117 = tpu.vector_load %arg11[%swap3A_115, %swap3A_116] {strides = array<i32>} : memref<80x128xf32, #tpu.memory_space<vmem>>, vector<1x16xf32>,
      %swap3A_118 = vector.shape_cast %swap3A_117 : vector<1x16xf32> to vector<16xf32>
      %swap3A_119 = vector.shape_cast %get3A_114 : vector<16xf32> to vector<1x16xf32>
      tpu.vector_store %arg11[%swap3A_115, %swap3A_116], %swap3A_119 {strides = array<i32>} : memref<80x128xf32, #tpu.memory_space<vmem>>, vector<1x16xf32>,
      %add3A_120 = arith.constant 40 : i32
      %add3A_121 = arith.addi %scan3A_76, %add3A_120 : i32
      %get3A_122 = arith.index_cast %add3A_121 : i32 to index
      %get3A_123 = arith.constant 64 : index
      %get3A_124 = tpu.vector_load %arg7[%get3A_122, %get3A_123] {strides = array<i32>} : memref<200x128xf32, #tpu.memory_space<vmem>>, vector<1x16xf32>,
      %get3A_125 = vector.shape_cast %get3A_124 : vector<1x16xf32> to vector<16xf32>
      %swap3A_126 = arith.index_cast %scan3A_76 : i32 to index
      %swap3A_127 = arith.constant 64 : index
      %swap3A_128 = tpu.vector_load %arg11[%swap3A_126, %swap3A_127] {strides = array<i32>} : memref<80x128xf32, #tpu.memory_space<vmem>>, vector<1x16xf32>,
      %swap3A_129 = vector.shape_cast %swap3A_128 : vector<1x16xf32> to vector<16xf32>
      %swap3A_130 = vector.shape_cast %get3A_125 : vector<16xf32> to vector<1x16xf32>
      tpu.vector_store %arg11[%swap3A_126, %swap3A_127], %swap3A_130 {strides = array<i32>} : memref<80x128xf32, #tpu.memory_space<vmem>>, vector<1x16xf32>,
      %add3A_131 = arith.constant 40 : i32
      %add3A_132 = arith.addi %scan3A_76, %add3A_131 : i32
      %get3A_133 = arith.index_cast %add3A_132 : i32 to index
      %get3A_134 = arith.constant 80 : index
      %get3A_135 = tpu.vector_load %arg7[%get3A_133, %get3A_134] {strides = array<i32>} : memref<200x128xf32, #tpu.memory_space<vmem>>, vector<1x16xf32>,
      %get3A_136 = vector.shape_cast %get3A_135 : vector<1x16xf32> to vector<16xf32>
      %swap3A_137 = arith.index_cast %scan3A_76 : i32 to index
      %swap3A_138 = arith.constant 80 : index
      %swap3A_139 = tpu.vector_load %arg11[%swap3A_137, %swap3A_138] {strides = array<i32>} : memref<80x128xf32, #tpu.memory_space<vmem>>, vector<1x16xf32>,
      %swap3A_140 = vector.shape_cast %swap3A_139 : vector<1x16xf32> to vector<16xf32>
      %swap3A_141 = vector.shape_cast %get3A_136 : vector<16xf32> to vector<1x16xf32>
      tpu.vector_store %arg11[%swap3A_137, %swap3A_138], %swap3A_141 {strides = array<i32>} : memref<80x128xf32, #tpu.memory_space<vmem>>, vector<1x16xf32>,
      %add3A_142 = arith.constant 40 : i32
      %add3A_143 = arith.addi %scan3A_76, %add3A_142 : i32
      %get3A_144 = arith.index_cast %add3A_143 : i32 to index
      %get3A_145 = arith.constant 96 : index
      %get3A_146 = tpu.vector_load %arg7[%get3A_144, %get3A_145] {strides = array<i32>} : memref<200x128xf32, #tpu.memory_space<vmem>>, vector<1x16xf32>,
      %get3A_147 = vector.shape_cast %get3A_146 : vector<1x16xf32> to vector<16xf32>
      %swap3A_148 = arith.index_cast %scan3A_76 : i32 to index
      %swap3A_149 = arith.constant 96 : index
      %swap3A_150 = tpu.vector_load %arg11[%swap3A_148, %swap3A_149] {strides = array<i32>} : memref<80x128xf32, #tpu.memory_space<vmem>>, vector<1x16xf32>,
      %swap3A_151 = vector.shape_cast %swap3A_150 : vector<1x16xf32> to vector<16xf32>
      %swap3A_152 = vector.shape_cast %get3A_147 : vector<16xf32> to vector<1x16xf32>
      tpu.vector_store %arg11[%swap3A_148, %swap3A_149], %swap3A_152 {strides = array<i32>} : memref<80x128xf32, #tpu.memory_space<vmem>>, vector<1x16xf32>,
      %add3A_153 = arith.constant 40 : i32
      %add3A_154 = arith.addi %scan3A_76, %add3A_153 : i32
      %get3A_155 = arith.index_cast %add3A_154 : i32 to index
      %get3A_156 = arith.constant 112 : index
      %get3A_157 = tpu.vector_load %arg7[%get3A_155, %get3A_156] {strides = array<i32>} : memref<200x128xf32, #tpu.memory_space<vmem>>, vector<1x16xf32>,
      %get3A_158 = vector.shape_cast %get3A_157 : vector<1x16xf32> to vector<16xf32>
      %swap3A_159 = arith.index_cast %scan3A_76 : i32 to index
      %swap3A_160 = arith.constant 112 : index
      %swap3A_161 = tpu.vector_load %arg11[%swap3A_159, %swap3A_160] {strides = array<i32>} : memref<80x128xf32, #tpu.memory_space<vmem>>, vector<1x16xf32>,
      %swap3A_162 = vector.shape_cast %swap3A_161 : vector<1x16xf32> to vector<16xf32>
      %swap3A_163 = vector.shape_cast %get3A_158 : vector<16xf32> to vector<1x16xf32>
      tpu.vector_store %arg11[%swap3A_159, %swap3A_160], %swap3A_163 {strides = array<i32>} : memref<80x128xf32, #tpu.memory_space<vmem>>, vector<1x16xf32>,
      %scan3A_164 = arith.constant 0 : i32
      scf.yield %scan3A_164 : i32
    }
    %scan3A_56 = arith.constant 80 : i32
    %dma_start3A_57 = arith.constant 3 : i32
    %dma_start3A_58 = arith.constant 0 : i32
    %dma_start3A_59 = tpu.memref_slice %arg6[%dma_start3A_57, %dma_start3A_58] : memref<80x80xi32, #tpu.memory_space<vmem>> -> memref<1x80xi32, #tpu.memory_space<vmem>>
    %dma_start3A_60 = tpu.memref_squeeze %dma_start3A_59 : memref<1x80xi32, #tpu.memory_space<vmem>> -> memref<80xi32, #tpu.memory_space<vmem>>
    %dma_start3A_61 = arith.constant 0 : i32
    %dma_start3A_62 = arith.constant 0 : i32
    %dma_start3A_63 = tpu.memref_slice %arg3[%dma_start3A_61, %dma_start3A_62] : memref<100005x128xf32, #tpu.memory_space<hbm>> -> memref<100005x128xf32, #tpu.memory_space<hbm>>
    tpu.enqueue_indirect_dma source(%dma_start3A_63 : memref<100005x128xf32, #tpu.memory_space<hbm>>) target(%arg11 : memref<80x128xf32, #tpu.memory_space<vmem>>) offsets(%dma_start3A_60 : memref<80xi32, #tpu.memory_space<vmem>>) semaphore(%arg16 : memref<!tpu.dma_semaphore, #tpu.memory_space<semaphore_mem>>) {add = true}
    %scan3A_64 = arith.constant 0 : i32
    %scan3A_65 = arith.constant 0 : i32
    %scan3A_66 = arith.constant 16 : i32
    %scan3A_67 = arith.addi %scan3A_65, %scan3A_66 : i32
    %scan3A_68 = arith.constant 1 : i32
    %scan3A_69 = scf.for %scan3A_76 = %scan3A_65 to %scan3A_67 step %scan3A_68 iter_args(%scan3A_77 = %scan3A_64) -> (i32)  : i32 {
      %mul3A_78 = arith.constant 5 : i32
      %mul3A_79 = arith.muli %scan3A_76, %mul3A_78 : i32
      %add3A_80 = arith.constant 0 : i32
      %add3A_81 = arith.addi %mul3A_79, %add3A_80 : i32
      %dma_wait3A_82 = arith.constant 0 : i32
      %dma_wait3A_83 = tpu.memref_slice %arg6[%add3A_81, %dma_wait3A_82] : memref<80x80xi32, #tpu.memory_space<vmem>> -> memref<1x80xi32, #tpu.memory_space<vmem>>
      %dma_wait3A_84 = tpu.memref_squeeze %dma_wait3A_83 : memref<1x80xi32, #tpu.memory_space<vmem>> -> memref<80xi32, #tpu.memory_space<vmem>>
      %dma_wait3A_85 = arith.constant 0 : i32
      %dma_wait3A_86 = arith.constant 0 : i32
      %dma_wait3A_87 = tpu.memref_slice %arg3[%dma_wait3A_85, %dma_wait3A_86] : memref<100005x128xf32, #tpu.memory_space<hbm>> -> memref<100005x128xf32, #tpu.memory_space<hbm>>
      tpu.wait_indirect_dma semaphore(%arg13 : memref<!tpu.dma_semaphore, #tpu.memory_space<semaphore_mem>>) src(%dma_wait3A_87 : memref<100005x128xf32, #tpu.memory_space<hbm>>) dst(%arg8 : memref<80x128xf32, #tpu.memory_space<vmem>>)
      %mul3A_88 = arith.constant 80 : i32
      %mul3A_89 = arith.muli %add3A_81, %mul3A_88 : i32
      %add3A_90 = arith.addi %mul3A_2, %mul3A_89 : i32
      %dma_start3A_91 = arith.constant 0 : i32
      %dma_start3A_92 = tpu.memref_slice %arg5[%add3A_90, %dma_start3A_91] : memref<204800x128xf32, #tpu.memory_space<hbm>> -> memref<80x128xf32, #tpu.memory_space<hbm>>
      %dma_start3A_93 = arith.constant 0 : i32
      %dma_start3A_94 = tpu.memref_slice %arg5[%add3A_90, %dma_start3A_93] : memref<204800x128xf32, #tpu.memory_space<hbm>> -> memref<80x128xf32, #tpu.memory_space<hbm>>
      tpu.enqueue_dma source(%arg8 : memref<80x128xf32, #tpu.memory_space<vmem>>) target(%dma_start3A_94 : memref<80x128xf32, #tpu.memory_space<hbm>>) target_semaphore(%arg18 : memref<!tpu.dma_semaphore, #tpu.memory_space<semaphore_mem>>)
      %add3A_95 = arith.constant 5 : i32
      %add3A_96 = arith.addi %add3A_81, %add3A_95 : i32
      %sub3A = arith.constant 1 : i32
      %sub3A_97 = arith.subi %add3A_96, %sub3A : i32
      %ge3A = arith.constant 1 : i32
      %ge3A_98 = arith.cmpi sge, %add3A_81, %ge3A : i32
      %convert_element_type3A = arith.extui %ge3A_98 : i1 to i32
      %cond3A = arith.constant 0 : i32
      %cond3A_99 = arith.cmpi ne, %convert_element_type3A, %cond3A : i32
      scf.if %cond3A_99 {
        %dma_wait3A_221 = arith.constant 0 : i32
        %dma_wait3A_222 = arith.constant 0 : i32
        %dma_wait3A_223 = tpu.memref_slice %arg5[%dma_wait3A_221, %dma_wait3A_222] : memref<204800x128xf32, #tpu.memory_space<hbm>> -> memref<80x128xf32, #tpu.memory_space<hbm>>
        %dma_wait3A_224 = arith.constant 0 : i32
        %dma_wait3A_225 = arith.constant 0 : i32
        %dma_wait3A_226 = tpu.memref_slice %arg5[%dma_wait3A_224, %dma_wait3A_225] : memref<204800x128xf32, #tpu.memory_space<hbm>> -> memref<80x128xf32, #tpu.memory_space<hbm>>
        tpu.wait_dma2 semaphore(%arg22 : memref<!tpu.dma_semaphore, #tpu.memory_space<semaphore_mem>>) src(%arg12 : memref<80x128xf32, #tpu.memory_space<vmem>>) dst(%dma_wait3A_226 : memref<80x128xf32, #tpu.memory_space<hbm>>)
      } else {
      }
      %lt3A = arith.constant 80 : i32
      %lt3A_100 = arith.cmpi slt, %sub3A_97, %lt3A : i32
      %convert_element_type3A_101 = arith.extui %lt3A_100 : i1 to i32
      %cond3A_102 = arith.constant 0 : i32
      %cond3A_103 = arith.cmpi ne, %convert_element_type3A_101, %cond3A_102 : i32
      scf.if %cond3A_103 {
        %scan3A_221 = arith.constant 0 : i32
        %scan3A_222 = arith.constant 0 : i32
        %scan3A_223 = arith.constant 80 : i32
        %scan3A_224 = arith.addi %scan3A_222, %scan3A_223 : i32
        %scan3A_225 = arith.constant 1 : i32
        %scan3A_226 = scf.for %scan3A_234 = %scan3A_222 to %scan3A_224 step %scan3A_225 iter_args(%scan3A_235 = %scan3A_221) -> (i32)  : i32 {
          %add3A_236 = arith.constant 120 : i32
          %add3A_237 = arith.addi %scan3A_234, %add3A_236 : i32
          %get3A = arith.index_cast %add3A_237 : i32 to index
          %get3A_238 = arith.constant 0 : index
          %get3A_239 = tpu.vector_load %arg7[%get3A, %get3A_238] {strides = array<i32>} : memref<200x128xf32, #tpu.memory_space<vmem>>, vector<1x16xf32>,
          %get3A_240 = vector.shape_cast %get3A_239 : vector<1x16xf32> to vector<16xf32>
          %swap3A = arith.index_cast %scan3A_234 : i32 to index
          %swap3A_241 = arith.constant 0 : index
          %swap3A_242 = tpu.vector_load %arg12[%swap3A, %swap3A_241] {strides = array<i32>} : memref<80x128xf32, #tpu.memory_space<vmem>>, vector<1x16xf32>,
          %swap3A_243 = vector.shape_cast %swap3A_242 : vector<1x16xf32> to vector<16xf32>
          %swap3A_244 = vector.shape_cast %get3A_240 : vector<16xf32> to vector<1x16xf32>
          tpu.vector_store %arg12[%swap3A, %swap3A_241], %swap3A_244 {strides = array<i32>} : memref<80x128xf32, #tpu.memory_space<vmem>>, vector<1x16xf32>,
          %add3A_245 = arith.constant 120 : i32
          %add3A_246 = arith.addi %scan3A_234, %add3A_245 : i32
          %get3A_247 = arith.index_cast %add3A_246 : i32 to index
          %get3A_248 = arith.constant 16 : index
          %get3A_249 = tpu.vector_load %arg7[%get3A_247, %get3A_248] {strides = array<i32>} : memref<200x128xf32, #tpu.memory_space<vmem>>, vector<1x16xf32>,
          %get3A_250 = vector.shape_cast %get3A_249 : vector<1x16xf32> to vector<16xf32>
          %swap3A_251 = arith.index_cast %scan3A_234 : i32 to index
          %swap3A_252 = arith.constant 16 : index
          %swap3A_253 = tpu.vector_load %arg12[%swap3A_251, %swap3A_252] {strides = array<i32>} : memref<80x128xf32, #tpu.memory_space<vmem>>, vector<1x16xf32>,
          %swap3A_254 = vector.shape_cast %swap3A_253 : vector<1x16xf32> to vector<16xf32>
          %swap3A_255 = vector.shape_cast %get3A_250 : vector<16xf32> to vector<1x16xf32>
          tpu.vector_store %arg12[%swap3A_251, %swap3A_252], %swap3A_255 {strides = array<i32>} : memref<80x128xf32, #tpu.memory_space<vmem>>, vector<1x16xf32>,
          %add3A_256 = arith.constant 120 : i32
          %add3A_257 = arith.addi %scan3A_234, %add3A_256 : i32
          %get3A_258 = arith.index_cast %add3A_257 : i32 to index
          %get3A_259 = arith.constant 32 : index
          %get3A_260 = tpu.vector_load %arg7[%get3A_258, %get3A_259] {strides = array<i32>} : memref<200x128xf32, #tpu.memory_space<vmem>>, vector<1x16xf32>,
          %get3A_261 = vector.shape_cast %get3A_260 : vector<1x16xf32> to vector<16xf32>
          %swap3A_262 = arith.index_cast %scan3A_234 : i32 to index
          %swap3A_263 = arith.constant 32 : index
          %swap3A_264 = tpu.vector_load %arg12[%swap3A_262, %swap3A_263] {strides = array<i32>} : memref<80x128xf32, #tpu.memory_space<vmem>>, vector<1x16xf32>,
          %swap3A_265 = vector.shape_cast %swap3A_264 : vector<1x16xf32> to vector<16xf32>
          %swap3A_266 = vector.shape_cast %get3A_261 : vector<16xf32> to vector<1x16xf32>
          tpu.vector_store %arg12[%swap3A_262, %swap3A_263], %swap3A_266 {strides = array<i32>} : memref<80x128xf32, #tpu.memory_space<vmem>>, vector<1x16xf32>,
          %add3A_267 = arith.constant 120 : i32
          %add3A_268 = arith.addi %scan3A_234, %add3A_267 : i32
          %get3A_269 = arith.index_cast %add3A_268 : i32 to index
          %get3A_270 = arith.constant 48 : index
          %get3A_271 = tpu.vector_load %arg7[%get3A_269, %get3A_270] {strides = array<i32>} : memref<200x128xf32, #tpu.memory_space<vmem>>, vector<1x16xf32>,
          %get3A_272 = vector.shape_cast %get3A_271 : vector<1x16xf32> to vector<16xf32>
          %swap3A_273 = arith.index_cast %scan3A_234 : i32 to index
          %swap3A_274 = arith.constant 48 : index
          %swap3A_275 = tpu.vector_load %arg12[%swap3A_273, %swap3A_274] {strides = array<i32>} : memref<80x128xf32, #tpu.memory_space<vmem>>, vector<1x16xf32>,
          %swap3A_276 = vector.shape_cast %swap3A_275 : vector<1x16xf32> to vector<16xf32>
          %swap3A_277 = vector.shape_cast %get3A_272 : vector<16xf32> to vector<1x16xf32>
          tpu.vector_store %arg12[%swap3A_273, %swap3A_274], %swap3A_277 {strides = array<i32>} : memref<80x128xf32, #tpu.memory_space<vmem>>, vector<1x16xf32>,
          %add3A_278 = arith.constant 120 : i32
          %add3A_279 = arith.addi %scan3A_234, %add3A_278 : i32
          %get3A_280 = arith.index_cast %add3A_279 : i32 to index
          %get3A_281 = arith.constant 64 : index
          %get3A_282 = tpu.vector_load %arg7[%get3A_280, %get3A_281] {strides = array<i32>} : memref<200x128xf32, #tpu.memory_space<vmem>>, vector<1x16xf32>,
          %get3A_283 = vector.shape_cast %get3A_282 : vector<1x16xf32> to vector<16xf32>
          %swap3A_284 = arith.index_cast %scan3A_234 : i32 to index
          %swap3A_285 = arith.constant 64 : index
          %swap3A_286 = tpu.vector_load %arg12[%swap3A_284, %swap3A_285] {strides = array<i32>} : memref<80x128xf32, #tpu.memory_space<vmem>>, vector<1x16xf32>,
          %swap3A_287 = vector.shape_cast %swap3A_286 : vector<1x16xf32> to vector<16xf32>
          %swap3A_288 = vector.shape_cast %get3A_283 : vector<16xf32> to vector<1x16xf32>
          tpu.vector_store %arg12[%swap3A_284, %swap3A_285], %swap3A_288 {strides = array<i32>} : memref<80x128xf32, #tpu.memory_space<vmem>>, vector<1x16xf32>,
          %add3A_289 = arith.constant 120 : i32
          %add3A_290 = arith.addi %scan3A_234, %add3A_289 : i32
          %get3A_291 = arith.index_cast %add3A_290 : i32 to index
          %get3A_292 = arith.constant 80 : index
          %get3A_293 = tpu.vector_load %arg7[%get3A_291, %get3A_292] {strides = array<i32>} : memref<200x128xf32, #tpu.memory_space<vmem>>, vector<1x16xf32>,
          %get3A_294 = vector.shape_cast %get3A_293 : vector<1x16xf32> to vector<16xf32>
          %swap3A_295 = arith.index_cast %scan3A_234 : i32 to index
          %swap3A_296 = arith.constant 80 : index
          %swap3A_297 = tpu.vector_load %arg12[%swap3A_295, %swap3A_296] {strides = array<i32>} : memref<80x128xf32, #tpu.memory_space<vmem>>, vector<1x16xf32>,
          %swap3A_298 = vector.shape_cast %swap3A_297 : vector<1x16xf32> to vector<16xf32>
          %swap3A_299 = vector.shape_cast %get3A_294 : vector<16xf32> to vector<1x16xf32>
          tpu.vector_store %arg12[%swap3A_295, %swap3A_296], %swap3A_299 {strides = array<i32>} : memref<80x128xf32, #tpu.memory_space<vmem>>, vector<1x16xf32>,
          %add3A_300 = arith.constant 120 : i32
          %add3A_301 = arith.addi %scan3A_234, %add3A_300 : i32
          %get3A_302 = arith.index_cast %add3A_301 : i32 to index
          %get3A_303 = arith.constant 96 : index
          %get3A_304 = tpu.vector_load %arg7[%get3A_302, %get3A_303] {strides = array<i32>} : memref<200x128xf32, #tpu.memory_space<vmem>>, vector<1x16xf32>,
          %get3A_305 = vector.shape_cast %get3A_304 : vector<1x16xf32> to vector<16xf32>
          %swap3A_306 = arith.index_cast %scan3A_234 : i32 to index
          %swap3A_307 = arith.constant 96 : index
          %swap3A_308 = tpu.vector_load %arg12[%swap3A_306, %swap3A_307] {strides = array<i32>} : memref<80x128xf32, #tpu.memory_space<vmem>>, vector<1x16xf32>,
          %swap3A_309 = vector.shape_cast %swap3A_308 : vector<1x16xf32> to vector<16xf32>
          %swap3A_310 = vector.shape_cast %get3A_305 : vector<16xf32> to vector<1x16xf32>
          tpu.vector_store %arg12[%swap3A_306, %swap3A_307], %swap3A_310 {strides = array<i32>} : memref<80x128xf32, #tpu.memory_space<vmem>>, vector<1x16xf32>,
          %add3A_311 = arith.constant 120 : i32
          %add3A_312 = arith.addi %scan3A_234, %add3A_311 : i32
          %get3A_313 = arith.index_cast %add3A_312 : i32 to index
          %get3A_314 = arith.constant 112 : index
          %get3A_315 = tpu.vector_load %arg7[%get3A_313, %get3A_314] {strides = array<i32>} : memref<200x128xf32, #tpu.memory_space<vmem>>, vector<1x16xf32>,
          %get3A_316 = vector.shape_cast %get3A_315 : vector<1x16xf32> to vector<16xf32>
          %swap3A_317 = arith.index_cast %scan3A_234 : i32 to index
          %swap3A_318 = arith.constant 112 : index
          %swap3A_319 = tpu.vector_load %arg12[%swap3A_317, %swap3A_318] {strides = array<i32>} : memref<80x128xf32, #tpu.memory_space<vmem>>, vector<1x16xf32>,
          %swap3A_320 = vector.shape_cast %swap3A_319 : vector<1x16xf32> to vector<16xf32>
          %swap3A_321 = vector.shape_cast %get3A_316 : vector<16xf32> to vector<1x16xf32>
          tpu.vector_store %arg12[%swap3A_317, %swap3A_318], %swap3A_321 {strides = array<i32>} : memref<80x128xf32, #tpu.memory_space<vmem>>, vector<1x16xf32>,
          %scan3A_322 = arith.constant 0 : i32
          scf.yield %scan3A_322 : i32
        }
        %scan3A_227 = arith.constant 80 : i32
        %dma_start3A_228 = arith.constant 0 : i32
        %dma_start3A_229 = tpu.memref_slice %arg6[%sub3A_97, %dma_start3A_228] : memref<80x80xi32, #tpu.memory_space<vmem>> -> memref<1x80xi32, #tpu.memory_space<vmem>>
        %dma_start3A_230 = tpu.memref_squeeze %dma_start3A_229 : memref<1x80xi32, #tpu.memory_space<vmem>> -> memref<80xi32, #tpu.memory_space<vmem>>
        %dma_start3A_231 = arith.constant 0 : i32
        %dma_start3A_232 = arith.constant 0 : i32
        %dma_start3A_233 = tpu.memref_slice %arg3[%dma_start3A_231, %dma_start3A_232] : memref<100005x128xf32, #tpu.memory_space<hbm>> -> memref<100005x128xf32, #tpu.memory_space<hbm>>
        tpu.enqueue_indirect_dma source(%dma_start3A_233 : memref<100005x128xf32, #tpu.memory_space<hbm>>) target(%arg12 : memref<80x128xf32, #tpu.memory_space<vmem>>) offsets(%dma_start3A_230 : memref<80xi32, #tpu.memory_space<vmem>>) semaphore(%arg17 : memref<!tpu.dma_semaphore, #tpu.memory_space<semaphore_mem>>) {add = true}
      } else {
      }
      %add3A_104 = arith.constant 1 : i32
      %add3A_105 = arith.addi %mul3A_79, %add3A_104 : i32
      %dma_wait3A_106 = arith.constant 0 : i32
      %dma_wait3A_107 = tpu.memref_slice %arg6[%add3A_105, %dma_wait3A_106] : memref<80x80xi32, #tpu.memory_space<vmem>> -> memref<1x80xi32, #tpu.memory_space<vmem>>
      %dma_wait3A_108 = tpu.memref_squeeze %dma_wait3A_107 : memref<1x80xi32, #tpu.memory_space<vmem>> -> memref<80xi32, #tpu.memory_space<vmem>>
      %dma_wait3A_109 = arith.constant 0 : i32
      %dma_wait3A_110 = arith.constant 0 : i32
      %dma_wait3A_111 = tpu.memref_slice %arg3[%dma_wait3A_109, %dma_wait3A_110] : memref<100005x128xf32, #tpu.memory_space<hbm>> -> memref<100005x128xf32, #tpu.memory_space<hbm>>
      tpu.wait_indirect_dma semaphore(%arg14 : memref<!tpu.dma_semaphore, #tpu.memory_space<semaphore_mem>>) src(%dma_wait3A_111 : memref<100005x128xf32, #tpu.memory_space<hbm>>) dst(%arg9 : memref<80x128xf32, #tpu.memory_space<vmem>>)
      %mul3A_112 = arith.constant 80 : i32
      %mul3A_113 = arith.muli %add3A_105, %mul3A_112 : i32
      %add3A_114 = arith.addi %mul3A_2, %mul3A_113 : i32
      %dma_start3A_115 = arith.constant 0 : i32
      %dma_start3A_116 = tpu.memref_slice %arg5[%add3A_114, %dma_start3A_115] : memref<204800x128xf32, #tpu.memory_space<hbm>> -> memref<80x128xf32, #tpu.memory_space<hbm>>
      %dma_start3A_117 = arith.constant 0 : i32
      %dma_start3A_118 = tpu.memref_slice %arg5[%add3A_114, %dma_start3A_117] : memref<204800x128xf32, #tpu.memory_space<hbm>> -> memref<80x128xf32, #tpu.memory_space<hbm>>
      tpu.enqueue_dma source(%arg9 : memref<80x128xf32, #tpu.memory_space<vmem>>) target(%dma_start3A_118 : memref<80x128xf32, #tpu.memory_space<hbm>>) target_semaphore(%arg19 : memref<!tpu.dma_semaphore, #tpu.memory_space<semaphore_mem>>)
      %add3A_119 = arith.constant 5 : i32
      %add3A_120 = arith.addi %add3A_105, %add3A_119 : i32
      %sub3A_121 = arith.constant 1 : i32
      %sub3A_122 = arith.subi %add3A_120, %sub3A_121 : i32
      %ge3A_123 = arith.constant 1 : i32
      %ge3A_124 = arith.cmpi sge, %add3A_105, %ge3A_123 : i32
      %convert_element_type3A_125 = arith.extui %ge3A_124 : i1 to i32
      %cond3A_126 = arith.constant 0 : i32
      %cond3A_127 = arith.cmpi ne, %convert_element_type3A_125, %cond3A_126 : i32
      scf.if %cond3A_127 {
        %dma_wait3A_221 = arith.constant 0 : i32
        %dma_wait3A_222 = arith.constant 0 : i32
        %dma_wait3A_223 = tpu.memref_slice %arg5[%dma_wait3A_221, %dma_wait3A_222] : memref<204800x128xf32, #tpu.memory_space<hbm>> -> memref<80x128xf32, #tpu.memory_space<hbm>>
        %dma_wait3A_224 = arith.constant 0 : i32
        %dma_wait3A_225 = arith.constant 0 : i32
        %dma_wait3A_226 = tpu.memref_slice %arg5[%dma_wait3A_224, %dma_wait3A_225] : memref<204800x128xf32, #tpu.memory_space<hbm>> -> memref<80x128xf32, #tpu.memory_space<hbm>>
        tpu.wait_dma2 semaphore(%arg18 : memref<!tpu.dma_semaphore, #tpu.memory_space<semaphore_mem>>) src(%arg8 : memref<80x128xf32, #tpu.memory_space<vmem>>) dst(%dma_wait3A_226 : memref<80x128xf32, #tpu.memory_space<hbm>>)
      } else {
      }
      %lt3A_128 = arith.constant 80 : i32
      %lt3A_129 = arith.cmpi slt, %sub3A_122, %lt3A_128 : i32
      %convert_element_type3A_130 = arith.extui %lt3A_129 : i1 to i32
      %cond3A_131 = arith.constant 0 : i32
      %cond3A_132 = arith.cmpi ne, %convert_element_type3A_130, %cond3A_131 : i32
      scf.if %cond3A_132 {
        %scan3A_221 = arith.constant 0 : i32
        %scan3A_222 = arith.constant 0 : i32
        %scan3A_223 = arith.constant 80 : i32
        %scan3A_224 = arith.addi %scan3A_222, %scan3A_223 : i32
        %scan3A_225 = arith.constant 1 : i32
        %scan3A_226 = scf.for %scan3A_234 = %scan3A_222 to %scan3A_224 step %scan3A_225 iter_args(%scan3A_235 = %scan3A_221) -> (i32)  : i32 {
          %add3A_236 = arith.constant 0 : i32
          %add3A_237 = arith.addi %scan3A_234, %add3A_236 : i32
          %get3A = arith.index_cast %add3A_237 : i32 to index
          %get3A_238 = arith.constant 0 : index
          %get3A_239 = tpu.vector_load %arg7[%get3A, %get3A_238] {strides = array<i32>} : memref<200x128xf32, #tpu.memory_space<vmem>>, vector<1x16xf32>,
          %get3A_240 = vector.shape_cast %get3A_239 : vector<1x16xf32> to vector<16xf32>
          %swap3A = arith.index_cast %scan3A_234 : i32 to index
          %swap3A_241 = arith.constant 0 : index
          %swap3A_242 = tpu.vector_load %arg8[%swap3A, %swap3A_241] {strides = array<i32>} : memref<80x128xf32, #tpu.memory_space<vmem>>, vector<1x16xf32>,
          %swap3A_243 = vector.shape_cast %swap3A_242 : vector<1x16xf32> to vector<16xf32>
          %swap3A_244 = vector.shape_cast %get3A_240 : vector<16xf32> to vector<1x16xf32>
          tpu.vector_store %arg8[%swap3A, %swap3A_241], %swap3A_244 {strides = array<i32>} : memref<80x128xf32, #tpu.memory_space<vmem>>, vector<1x16xf32>,
          %add3A_245 = arith.constant 0 : i32
          %add3A_246 = arith.addi %scan3A_234, %add3A_245 : i32
          %get3A_247 = arith.index_cast %add3A_246 : i32 to index
          %get3A_248 = arith.constant 16 : index
          %get3A_249 = tpu.vector_load %arg7[%get3A_247, %get3A_248] {strides = array<i32>} : memref<200x128xf32, #tpu.memory_space<vmem>>, vector<1x16xf32>,
          %get3A_250 = vector.shape_cast %get3A_249 : vector<1x16xf32> to vector<16xf32>
          %swap3A_251 = arith.index_cast %scan3A_234 : i32 to index
          %swap3A_252 = arith.constant 16 : index
          %swap3A_253 = tpu.vector_load %arg8[%swap3A_251, %swap3A_252] {strides = array<i32>} : memref<80x128xf32, #tpu.memory_space<vmem>>, vector<1x16xf32>,
          %swap3A_254 = vector.shape_cast %swap3A_253 : vector<1x16xf32> to vector<16xf32>
          %swap3A_255 = vector.shape_cast %get3A_250 : vector<16xf32> to vector<1x16xf32>
          tpu.vector_store %arg8[%swap3A_251, %swap3A_252], %swap3A_255 {strides = array<i32>} : memref<80x128xf32, #tpu.memory_space<vmem>>, vector<1x16xf32>,
          %add3A_256 = arith.constant 0 : i32
          %add3A_257 = arith.addi %scan3A_234, %add3A_256 : i32
          %get3A_258 = arith.index_cast %add3A_257 : i32 to index
          %get3A_259 = arith.constant 32 : index
          %get3A_260 = tpu.vector_load %arg7[%get3A_258, %get3A_259] {strides = array<i32>} : memref<200x128xf32, #tpu.memory_space<vmem>>, vector<1x16xf32>,
          %get3A_261 = vector.shape_cast %get3A_260 : vector<1x16xf32> to vector<16xf32>
          %swap3A_262 = arith.index_cast %scan3A_234 : i32 to index
          %swap3A_263 = arith.constant 32 : index
          %swap3A_264 = tpu.vector_load %arg8[%swap3A_262, %swap3A_263] {strides = array<i32>} : memref<80x128xf32, #tpu.memory_space<vmem>>, vector<1x16xf32>,
          %swap3A_265 = vector.shape_cast %swap3A_264 : vector<1x16xf32> to vector<16xf32>
          %swap3A_266 = vector.shape_cast %get3A_261 : vector<16xf32> to vector<1x16xf32>
          tpu.vector_store %arg8[%swap3A_262, %swap3A_263], %swap3A_266 {strides = array<i32>} : memref<80x128xf32, #tpu.memory_space<vmem>>, vector<1x16xf32>,
          %add3A_267 = arith.constant 0 : i32
          %add3A_268 = arith.addi %scan3A_234, %add3A_267 : i32
          %get3A_269 = arith.index_cast %add3A_268 : i32 to index
          %get3A_270 = arith.constant 48 : index
          %get3A_271 = tpu.vector_load %arg7[%get3A_269, %get3A_270] {strides = array<i32>} : memref<200x128xf32, #tpu.memory_space<vmem>>, vector<1x16xf32>,
          %get3A_272 = vector.shape_cast %get3A_271 : vector<1x16xf32> to vector<16xf32>
          %swap3A_273 = arith.index_cast %scan3A_234 : i32 to index
          %swap3A_274 = arith.constant 48 : index
          %swap3A_275 = tpu.vector_load %arg8[%swap3A_273, %swap3A_274] {strides = array<i32>} : memref<80x128xf32, #tpu.memory_space<vmem>>, vector<1x16xf32>,
          %swap3A_276 = vector.shape_cast %swap3A_275 : vector<1x16xf32> to vector<16xf32>
          %swap3A_277 = vector.shape_cast %get3A_272 : vector<16xf32> to vector<1x16xf32>
          tpu.vector_store %arg8[%swap3A_273, %swap3A_274], %swap3A_277 {strides = array<i32>} : memref<80x128xf32, #tpu.memory_space<vmem>>, vector<1x16xf32>,
          %add3A_278 = arith.constant 0 : i32
          %add3A_279 = arith.addi %scan3A_234, %add3A_278 : i32
          %get3A_280 = arith.index_cast %add3A_279 : i32 to index
          %get3A_281 = arith.constant 64 : index
          %get3A_282 = tpu.vector_load %arg7[%get3A_280, %get3A_281] {strides = array<i32>} : memref<200x128xf32, #tpu.memory_space<vmem>>, vector<1x16xf32>,
          %get3A_283 = vector.shape_cast %get3A_282 : vector<1x16xf32> to vector<16xf32>
          %swap3A_284 = arith.index_cast %scan3A_234 : i32 to index
          %swap3A_285 = arith.constant 64 : index
          %swap3A_286 = tpu.vector_load %arg8[%swap3A_284, %swap3A_285] {strides = array<i32>} : memref<80x128xf32, #tpu.memory_space<vmem>>, vector<1x16xf32>,
          %swap3A_287 = vector.shape_cast %swap3A_286 : vector<1x16xf32> to vector<16xf32>
          %swap3A_288 = vector.shape_cast %get3A_283 : vector<16xf32> to vector<1x16xf32>
          tpu.vector_store %arg8[%swap3A_284, %swap3A_285], %swap3A_288 {strides = array<i32>} : memref<80x128xf32, #tpu.memory_space<vmem>>, vector<1x16xf32>,
          %add3A_289 = arith.constant 0 : i32
          %add3A_290 = arith.addi %scan3A_234, %add3A_289 : i32
          %get3A_291 = arith.index_cast %add3A_290 : i32 to index
          %get3A_292 = arith.constant 80 : index
          %get3A_293 = tpu.vector_load %arg7[%get3A_291, %get3A_292] {strides = array<i32>} : memref<200x128xf32, #tpu.memory_space<vmem>>, vector<1x16xf32>,
          %get3A_294 = vector.shape_cast %get3A_293 : vector<1x16xf32> to vector<16xf32>
          %swap3A_295 = arith.index_cast %scan3A_234 : i32 to index
          %swap3A_296 = arith.constant 80 : index
          %swap3A_297 = tpu.vector_load %arg8[%swap3A_295, %swap3A_296] {strides = array<i32>} : memref<80x128xf32, #tpu.memory_space<vmem>>, vector<1x16xf32>,
          %swap3A_298 = vector.shape_cast %swap3A_297 : vector<1x16xf32> to vector<16xf32>
          %swap3A_299 = vector.shape_cast %get3A_294 : vector<16xf32> to vector<1x16xf32>
          tpu.vector_store %arg8[%swap3A_295, %swap3A_296], %swap3A_299 {strides = array<i32>} : memref<80x128xf32, #tpu.memory_space<vmem>>, vector<1x16xf32>,
          %add3A_300 = arith.constant 0 : i32
          %add3A_301 = arith.addi %scan3A_234, %add3A_300 : i32
          %get3A_302 = arith.index_cast %add3A_301 : i32 to index
          %get3A_303 = arith.constant 96 : index
          %get3A_304 = tpu.vector_load %arg7[%get3A_302, %get3A_303] {strides = array<i32>} : memref<200x128xf32, #tpu.memory_space<vmem>>, vector<1x16xf32>,
          %get3A_305 = vector.shape_cast %get3A_304 : vector<1x16xf32> to vector<16xf32>
          %swap3A_306 = arith.index_cast %scan3A_234 : i32 to index
          %swap3A_307 = arith.constant 96 : index
          %swap3A_308 = tpu.vector_load %arg8[%swap3A_306, %swap3A_307] {strides = array<i32>} : memref<80x128xf32, #tpu.memory_space<vmem>>, vector<1x16xf32>,
          %swap3A_309 = vector.shape_cast %swap3A_308 : vector<1x16xf32> to vector<16xf32>
          %swap3A_310 = vector.shape_cast %get3A_305 : vector<16xf32> to vector<1x16xf32>
          tpu.vector_store %arg8[%swap3A_306, %swap3A_307], %swap3A_310 {strides = array<i32>} : memref<80x128xf32, #tpu.memory_space<vmem>>, vector<1x16xf32>,
          %add3A_311 = arith.constant 0 : i32
          %add3A_312 = arith.addi %scan3A_234, %add3A_311 : i32
          %get3A_313 = arith.index_cast %add3A_312 : i32 to index
          %get3A_314 = arith.constant 112 : index
          %get3A_315 = tpu.vector_load %arg7[%get3A_313, %get3A_314] {strides = array<i32>} : memref<200x128xf32, #tpu.memory_space<vmem>>, vector<1x16xf32>,
          %get3A_316 = vector.shape_cast %get3A_315 : vector<1x16xf32> to vector<16xf32>
          %swap3A_317 = arith.index_cast %scan3A_234 : i32 to index
          %swap3A_318 = arith.constant 112 : index
          %swap3A_319 = tpu.vector_load %arg8[%swap3A_317, %swap3A_318] {strides = array<i32>} : memref<80x128xf32, #tpu.memory_space<vmem>>, vector<1x16xf32>,
          %swap3A_320 = vector.shape_cast %swap3A_319 : vector<1x16xf32> to vector<16xf32>
          %swap3A_321 = vector.shape_cast %get3A_316 : vector<16xf32> to vector<1x16xf32>
          tpu.vector_store %arg8[%swap3A_317, %swap3A_318], %swap3A_321 {strides = array<i32>} : memref<80x128xf32, #tpu.memory_space<vmem>>, vector<1x16xf32>,
          %scan3A_322 = arith.constant 0 : i32
          scf.yield %scan3A_322 : i32
        }
        %scan3A_227 = arith.constant 80 : i32
        %dma_start3A_228 = arith.constant 0 : i32
        %dma_start3A_229 = tpu.memref_slice %arg6[%sub3A_122, %dma_start3A_228] : memref<80x80xi32, #tpu.memory_space<vmem>> -> memref<1x80xi32, #tpu.memory_space<vmem>>
        %dma_start3A_230 = tpu.memref_squeeze %dma_start3A_229 : memref<1x80xi32, #tpu.memory_space<vmem>> -> memref<80xi32, #tpu.memory_space<vmem>>
        %dma_start3A_231 = arith.constant 0 : i32
        %dma_start3A_232 = arith.constant 0 : i32
        %dma_start3A_233 = tpu.memref_slice %arg3[%dma_start3A_231, %dma_start3A_232] : memref<100005x128xf32, #tpu.memory_space<hbm>> -> memref<100005x128xf32, #tpu.memory_space<hbm>>
        tpu.enqueue_indirect_dma source(%dma_start3A_233 : memref<100005x128xf32, #tpu.memory_space<hbm>>) target(%arg8 : memref<80x128xf32, #tpu.memory_space<vmem>>) offsets(%dma_start3A_230 : memref<80xi32, #tpu.memory_space<vmem>>) semaphore(%arg13 : memref<!tpu.dma_semaphore, #tpu.memory_space<semaphore_mem>>) {add = true}
      } else {
      }
      %add3A_133 = arith.constant 2 : i32
      %add3A_134 = arith.addi %mul3A_79, %add3A_133 : i32
      %dma_wait3A_135 = arith.constant 0 : i32
      %dma_wait3A_136 = tpu.memref_slice %arg6[%add3A_134, %dma_wait3A_135] : memref<80x80xi32, #tpu.memory_space<vmem>> -> memref<1x80xi32, #tpu.memory_space<vmem>>
      %dma_wait3A_137 = tpu.memref_squeeze %dma_wait3A_136 : memref<1x80xi32, #tpu.memory_space<vmem>> -> memref<80xi32, #tpu.memory_space<vmem>>
      %dma_wait3A_138 = arith.constant 0 : i32
      %dma_wait3A_139 = arith.constant 0 : i32
      %dma_wait3A_140 = tpu.memref_slice %arg3[%dma_wait3A_138, %dma_wait3A_139] : memref<100005x128xf32, #tpu.memory_space<hbm>> -> memref<100005x128xf32, #tpu.memory_space<hbm>>
      tpu.wait_indirect_dma semaphore(%arg15 : memref<!tpu.dma_semaphore, #tpu.memory_space<semaphore_mem>>) src(%dma_wait3A_140 : memref<100005x128xf32, #tpu.memory_space<hbm>>) dst(%arg10 : memref<80x128xf32, #tpu.memory_space<vmem>>)
      %mul3A_141 = arith.constant 80 : i32
      %mul3A_142 = arith.muli %add3A_134, %mul3A_141 : i32
      %add3A_143 = arith.addi %mul3A_2, %mul3A_142 : i32
      %dma_start3A_144 = arith.constant 0 : i32
      %dma_start3A_145 = tpu.memref_slice %arg5[%add3A_143, %dma_start3A_144] : memref<204800x128xf32, #tpu.memory_space<hbm>> -> memref<80x128xf32, #tpu.memory_space<hbm>>
      %dma_start3A_146 = arith.constant 0 : i32
      %dma_start3A_147 = tpu.memref_slice %arg5[%add3A_143, %dma_start3A_146] : memref<204800x128xf32, #tpu.memory_space<hbm>> -> memref<80x128xf32, #tpu.memory_space<hbm>>
      tpu.enqueue_dma source(%arg10 : memref<80x128xf32, #tpu.memory_space<vmem>>) target(%dma_start3A_147 : memref<80x128xf32, #tpu.memory_space<hbm>>) target_semaphore(%arg20 : memref<!tpu.dma_semaphore, #tpu.memory_space<semaphore_mem>>)
      %add3A_148 = arith.constant 5 : i32
      %add3A_149 = arith.addi %add3A_134, %add3A_148 : i32
      %sub3A_150 = arith.constant 1 : i32
      %sub3A_151 = arith.subi %add3A_149, %sub3A_150 : i32
      %ge3A_152 = arith.constant 1 : i32
      %ge3A_153 = arith.cmpi sge, %add3A_134, %ge3A_152 : i32
      %convert_element_type3A_154 = arith.extui %ge3A_153 : i1 to i32
      %cond3A_155 = arith.constant 0 : i32
      %cond3A_156 = arith.cmpi ne, %convert_element_type3A_154, %cond3A_155 : i32
      scf.if %cond3A_156 {
        %dma_wait3A_221 = arith.constant 0 : i32
        %dma_wait3A_222 = arith.constant 0 : i32
        %dma_wait3A_223 = tpu.memref_slice %arg5[%dma_wait3A_221, %dma_wait3A_222] : memref<204800x128xf32, #tpu.memory_space<hbm>> -> memref<80x128xf32, #tpu.memory_space<hbm>>
        %dma_wait3A_224 = arith.constant 0 : i32
        %dma_wait3A_225 = arith.constant 0 : i32
        %dma_wait3A_226 = tpu.memref_slice %arg5[%dma_wait3A_224, %dma_wait3A_225] : memref<204800x128xf32, #tpu.memory_space<hbm>> -> memref<80x128xf32, #tpu.memory_space<hbm>>
        tpu.wait_dma2 semaphore(%arg19 : memref<!tpu.dma_semaphore, #tpu.memory_space<semaphore_mem>>) src(%arg9 : memref<80x128xf32, #tpu.memory_space<vmem>>) dst(%dma_wait3A_226 : memref<80x128xf32, #tpu.memory_space<hbm>>)
      } else {
      }
      %lt3A_157 = arith.constant 80 : i32
      %lt3A_158 = arith.cmpi slt, %sub3A_151, %lt3A_157 : i32
      %convert_element_type3A_159 = arith.extui %lt3A_158 : i1 to i32
      %cond3A_160 = arith.constant 0 : i32
      %cond3A_161 = arith.cmpi ne, %convert_element_type3A_159, %cond3A_160 : i32
      scf.if %cond3A_161 {
        %scan3A_221 = arith.constant 0 : i32
        %scan3A_222 = arith.constant 0 : i32
        %scan3A_223 = arith.constant 80 : i32
        %scan3A_224 = arith.addi %scan3A_222, %scan3A_223 : i32
        %scan3A_225 = arith.constant 1 : i32
        %scan3A_226 = scf.for %scan3A_234 = %scan3A_222 to %scan3A_224 step %scan3A_225 iter_args(%scan3A_235 = %scan3A_221) -> (i32)  : i32 {
          %add3A_236 = arith.constant 80 : i32
          %add3A_237 = arith.addi %scan3A_234, %add3A_236 : i32
          %get3A = arith.index_cast %add3A_237 : i32 to index
          %get3A_238 = arith.constant 0 : index
          %get3A_239 = tpu.vector_load %arg7[%get3A, %get3A_238] {strides = array<i32>} : memref<200x128xf32, #tpu.memory_space<vmem>>, vector<1x16xf32>,
          %get3A_240 = vector.shape_cast %get3A_239 : vector<1x16xf32> to vector<16xf32>
          %swap3A = arith.index_cast %scan3A_234 : i32 to index
          %swap3A_241 = arith.constant 0 : index
          %swap3A_242 = tpu.vector_load %arg9[%swap3A, %swap3A_241] {strides = array<i32>} : memref<80x128xf32, #tpu.memory_space<vmem>>, vector<1x16xf32>,
          %swap3A_243 = vector.shape_cast %swap3A_242 : vector<1x16xf32> to vector<16xf32>
          %swap3A_244 = vector.shape_cast %get3A_240 : vector<16xf32> to vector<1x16xf32>
          tpu.vector_store %arg9[%swap3A, %swap3A_241], %swap3A_244 {strides = array<i32>} : memref<80x128xf32, #tpu.memory_space<vmem>>, vector<1x16xf32>,
          %add3A_245 = arith.constant 80 : i32
          %add3A_246 = arith.addi %scan3A_234, %add3A_245 : i32
          %get3A_247 = arith.index_cast %add3A_246 : i32 to index
          %get3A_248 = arith.constant 16 : index
          %get3A_249 = tpu.vector_load %arg7[%get3A_247, %get3A_248] {strides = array<i32>} : memref<200x128xf32, #tpu.memory_space<vmem>>, vector<1x16xf32>,
          %get3A_250 = vector.shape_cast %get3A_249 : vector<1x16xf32> to vector<16xf32>
          %swap3A_251 = arith.index_cast %scan3A_234 : i32 to index
          %swap3A_252 = arith.constant 16 : index
          %swap3A_253 = tpu.vector_load %arg9[%swap3A_251, %swap3A_252] {strides = array<i32>} : memref<80x128xf32, #tpu.memory_space<vmem>>, vector<1x16xf32>,
          %swap3A_254 = vector.shape_cast %swap3A_253 : vector<1x16xf32> to vector<16xf32>
          %swap3A_255 = vector.shape_cast %get3A_250 : vector<16xf32> to vector<1x16xf32>
          tpu.vector_store %arg9[%swap3A_251, %swap3A_252], %swap3A_255 {strides = array<i32>} : memref<80x128xf32, #tpu.memory_space<vmem>>, vector<1x16xf32>,
          %add3A_256 = arith.constant 80 : i32
          %add3A_257 = arith.addi %scan3A_234, %add3A_256 : i32
          %get3A_258 = arith.index_cast %add3A_257 : i32 to index
          %get3A_259 = arith.constant 32 : index
          %get3A_260 = tpu.vector_load %arg7[%get3A_258, %get3A_259] {strides = array<i32>} : memref<200x128xf32, #tpu.memory_space<vmem>>, vector<1x16xf32>,
          %get3A_261 = vector.shape_cast %get3A_260 : vector<1x16xf32> to vector<16xf32>
          %swap3A_262 = arith.index_cast %scan3A_234 : i32 to index
          %swap3A_263 = arith.constant 32 : index
          %swap3A_264 = tpu.vector_load %arg9[%swap3A_262, %swap3A_263] {strides = array<i32>} : memref<80x128xf32, #tpu.memory_space<vmem>>, vector<1x16xf32>,
          %swap3A_265 = vector.shape_cast %swap3A_264 : vector<1x16xf32> to vector<16xf32>
          %swap3A_266 = vector.shape_cast %get3A_261 : vector<16xf32> to vector<1x16xf32>
          tpu.vector_store %arg9[%swap3A_262, %swap3A_263], %swap3A_266 {strides = array<i32>} : memref<80x128xf32, #tpu.memory_space<vmem>>, vector<1x16xf32>,
          %add3A_267 = arith.constant 80 : i32
          %add3A_268 = arith.addi %scan3A_234, %add3A_267 : i32
          %get3A_269 = arith.index_cast %add3A_268 : i32 to index
          %get3A_270 = arith.constant 48 : index
          %get3A_271 = tpu.vector_load %arg7[%get3A_269, %get3A_270] {strides = array<i32>} : memref<200x128xf32, #tpu.memory_space<vmem>>, vector<1x16xf32>,
          %get3A_272 = vector.shape_cast %get3A_271 : vector<1x16xf32> to vector<16xf32>
          %swap3A_273 = arith.index_cast %scan3A_234 : i32 to index
          %swap3A_274 = arith.constant 48 : index
          %swap3A_275 = tpu.vector_load %arg9[%swap3A_273, %swap3A_274] {strides = array<i32>} : memref<80x128xf32, #tpu.memory_space<vmem>>, vector<1x16xf32>,
          %swap3A_276 = vector.shape_cast %swap3A_275 : vector<1x16xf32> to vector<16xf32>
          %swap3A_277 = vector.shape_cast %get3A_272 : vector<16xf32> to vector<1x16xf32>
          tpu.vector_store %arg9[%swap3A_273, %swap3A_274], %swap3A_277 {strides = array<i32>} : memref<80x128xf32, #tpu.memory_space<vmem>>, vector<1x16xf32>,
          %add3A_278 = arith.constant 80 : i32
          %add3A_279 = arith.addi %scan3A_234, %add3A_278 : i32
          %get3A_280 = arith.index_cast %add3A_279 : i32 to index
          %get3A_281 = arith.constant 64 : index
          %get3A_282 = tpu.vector_load %arg7[%get3A_280, %get3A_281] {strides = array<i32>} : memref<200x128xf32, #tpu.memory_space<vmem>>, vector<1x16xf32>,
          %get3A_283 = vector.shape_cast %get3A_282 : vector<1x16xf32> to vector<16xf32>
          %swap3A_284 = arith.index_cast %scan3A_234 : i32 to index
          %swap3A_285 = arith.constant 64 : index
          %swap3A_286 = tpu.vector_load %arg9[%swap3A_284, %swap3A_285] {strides = array<i32>} : memref<80x128xf32, #tpu.memory_space<vmem>>, vector<1x16xf32>,
          %swap3A_287 = vector.shape_cast %swap3A_286 : vector<1x16xf32> to vector<16xf32>
          %swap3A_288 = vector.shape_cast %get3A_283 : vector<16xf32> to vector<1x16xf32>
          tpu.vector_store %arg9[%swap3A_284, %swap3A_285], %swap3A_288 {strides = array<i32>} : memref<80x128xf32, #tpu.memory_space<vmem>>, vector<1x16xf32>,
          %add3A_289 = arith.constant 80 : i32
          %add3A_290 = arith.addi %scan3A_234, %add3A_289 : i32
          %get3A_291 = arith.index_cast %add3A_290 : i32 to index
          %get3A_292 = arith.constant 80 : index
          %get3A_293 = tpu.vector_load %arg7[%get3A_291, %get3A_292] {strides = array<i32>} : memref<200x128xf32, #tpu.memory_space<vmem>>, vector<1x16xf32>,
          %get3A_294 = vector.shape_cast %get3A_293 : vector<1x16xf32> to vector<16xf32>
          %swap3A_295 = arith.index_cast %scan3A_234 : i32 to index
          %swap3A_296 = arith.constant 80 : index
          %swap3A_297 = tpu.vector_load %arg9[%swap3A_295, %swap3A_296] {strides = array<i32>} : memref<80x128xf32, #tpu.memory_space<vmem>>, vector<1x16xf32>,
          %swap3A_298 = vector.shape_cast %swap3A_297 : vector<1x16xf32> to vector<16xf32>
          %swap3A_299 = vector.shape_cast %get3A_294 : vector<16xf32> to vector<1x16xf32>
          tpu.vector_store %arg9[%swap3A_295, %swap3A_296], %swap3A_299 {strides = array<i32>} : memref<80x128xf32, #tpu.memory_space<vmem>>, vector<1x16xf32>,
          %add3A_300 = arith.constant 80 : i32
          %add3A_301 = arith.addi %scan3A_234, %add3A_300 : i32
          %get3A_302 = arith.index_cast %add3A_301 : i32 to index
          %get3A_303 = arith.constant 96 : index
          %get3A_304 = tpu.vector_load %arg7[%get3A_302, %get3A_303] {strides = array<i32>} : memref<200x128xf32, #tpu.memory_space<vmem>>, vector<1x16xf32>,
          %get3A_305 = vector.shape_cast %get3A_304 : vector<1x16xf32> to vector<16xf32>
          %swap3A_306 = arith.index_cast %scan3A_234 : i32 to index
          %swap3A_307 = arith.constant 96 : index
          %swap3A_308 = tpu.vector_load %arg9[%swap3A_306, %swap3A_307] {strides = array<i32>} : memref<80x128xf32, #tpu.memory_space<vmem>>, vector<1x16xf32>,
          %swap3A_309 = vector.shape_cast %swap3A_308 : vector<1x16xf32> to vector<16xf32>
          %swap3A_310 = vector.shape_cast %get3A_305 : vector<16xf32> to vector<1x16xf32>
          tpu.vector_store %arg9[%swap3A_306, %swap3A_307], %swap3A_310 {strides = array<i32>} : memref<80x128xf32, #tpu.memory_space<vmem>>, vector<1x16xf32>,
          %add3A_311 = arith.constant 80 : i32
          %add3A_312 = arith.addi %scan3A_234, %add3A_311 : i32
          %get3A_313 = arith.index_cast %add3A_312 : i32 to index
          %get3A_314 = arith.constant 112 : index
          %get3A_315 = tpu.vector_load %arg7[%get3A_313, %get3A_314] {strides = array<i32>} : memref<200x128xf32, #tpu.memory_space<vmem>>, vector<1x16xf32>,
          %get3A_316 = vector.shape_cast %get3A_315 : vector<1x16xf32> to vector<16xf32>
          %swap3A_317 = arith.index_cast %scan3A_234 : i32 to index
          %swap3A_318 = arith.constant 112 : index
          %swap3A_319 = tpu.vector_load %arg9[%swap3A_317, %swap3A_318] {strides = array<i32>} : memref<80x128xf32, #tpu.memory_space<vmem>>, vector<1x16xf32>,
          %swap3A_320 = vector.shape_cast %swap3A_319 : vector<1x16xf32> to vector<16xf32>
          %swap3A_321 = vector.shape_cast %get3A_316 : vector<16xf32> to vector<1x16xf32>
          tpu.vector_store %arg9[%swap3A_317, %swap3A_318], %swap3A_321 {strides = array<i32>} : memref<80x128xf32, #tpu.memory_space<vmem>>, vector<1x16xf32>,
          %scan3A_322 = arith.constant 0 : i32
          scf.yield %scan3A_322 : i32
        }
        %scan3A_227 = arith.constant 80 : i32
        %dma_start3A_228 = arith.constant 0 : i32
        %dma_start3A_229 = tpu.memref_slice %arg6[%sub3A_151, %dma_start3A_228] : memref<80x80xi32, #tpu.memory_space<vmem>> -> memref<1x80xi32, #tpu.memory_space<vmem>>
        %dma_start3A_230 = tpu.memref_squeeze %dma_start3A_229 : memref<1x80xi32, #tpu.memory_space<vmem>> -> memref<80xi32, #tpu.memory_space<vmem>>
        %dma_start3A_231 = arith.constant 0 : i32
        %dma_start3A_232 = arith.constant 0 : i32
        %dma_start3A_233 = tpu.memref_slice %arg3[%dma_start3A_231, %dma_start3A_232] : memref<100005x128xf32, #tpu.memory_space<hbm>> -> memref<100005x128xf32, #tpu.memory_space<hbm>>
        tpu.enqueue_indirect_dma source(%dma_start3A_233 : memref<100005x128xf32, #tpu.memory_space<hbm>>) target(%arg9 : memref<80x128xf32, #tpu.memory_space<vmem>>) offsets(%dma_start3A_230 : memref<80xi32, #tpu.memory_space<vmem>>) semaphore(%arg14 : memref<!tpu.dma_semaphore, #tpu.memory_space<semaphore_mem>>) {add = true}
      } else {
      }
      %add3A_162 = arith.constant 3 : i32
      %add3A_163 = arith.addi %mul3A_79, %add3A_162 : i32
      %dma_wait3A_164 = arith.constant 0 : i32
      %dma_wait3A_165 = tpu.memref_slice %arg6[%add3A_163, %dma_wait3A_164] : memref<80x80xi32, #tpu.memory_space<vmem>> -> memref<1x80xi32, #tpu.memory_space<vmem>>
      %dma_wait3A_166 = tpu.memref_squeeze %dma_wait3A_165 : memref<1x80xi32, #tpu.memory_space<vmem>> -> memref<80xi32, #tpu.memory_space<vmem>>
      %dma_wait3A_167 = arith.constant 0 : i32
      %dma_wait3A_168 = arith.constant 0 : i32
      %dma_wait3A_169 = tpu.memref_slice %arg3[%dma_wait3A_167, %dma_wait3A_168] : memref<100005x128xf32, #tpu.memory_space<hbm>> -> memref<100005x128xf32, #tpu.memory_space<hbm>>
      tpu.wait_indirect_dma semaphore(%arg16 : memref<!tpu.dma_semaphore, #tpu.memory_space<semaphore_mem>>) src(%dma_wait3A_169 : memref<100005x128xf32, #tpu.memory_space<hbm>>) dst(%arg11 : memref<80x128xf32, #tpu.memory_space<vmem>>)
      %mul3A_170 = arith.constant 80 : i32
      %mul3A_171 = arith.muli %add3A_163, %mul3A_170 : i32
      %add3A_172 = arith.addi %mul3A_2, %mul3A_171 : i32
      %dma_start3A_173 = arith.constant 0 : i32
      %dma_start3A_174 = tpu.memref_slice %arg5[%add3A_172, %dma_start3A_173] : memref<204800x128xf32, #tpu.memory_space<hbm>> -> memref<80x128xf32, #tpu.memory_space<hbm>>
      %dma_start3A_175 = arith.constant 0 : i32
      %dma_start3A_176 = tpu.memref_slice %arg5[%add3A_172, %dma_start3A_175] : memref<204800x128xf32, #tpu.memory_space<hbm>> -> memref<80x128xf32, #tpu.memory_space<hbm>>
      tpu.enqueue_dma source(%arg11 : memref<80x128xf32, #tpu.memory_space<vmem>>) target(%dma_start3A_176 : memref<80x128xf32, #tpu.memory_space<hbm>>) target_semaphore(%arg21 : memref<!tpu.dma_semaphore, #tpu.memory_space<semaphore_mem>>)
      %add3A_177 = arith.constant 5 : i32
      %add3A_178 = arith.addi %add3A_163, %add3A_177 : i32
      %sub3A_179 = arith.constant 1 : i32
      %sub3A_180 = arith.subi %add3A_178, %sub3A_179 : i32
      %ge3A_181 = arith.constant 1 : i32
      %ge3A_182 = arith.cmpi sge, %add3A_163, %ge3A_181 : i32
      %convert_element_type3A_183 = arith.extui %ge3A_182 : i1 to i32
      %cond3A_184 = arith.constant 0 : i32
      %cond3A_185 = arith.cmpi ne, %convert_element_type3A_183, %cond3A_184 : i32
      scf.if %cond3A_185 {
        %dma_wait3A_221 = arith.constant 0 : i32
        %dma_wait3A_222 = arith.constant 0 : i32
        %dma_wait3A_223 = tpu.memref_slice %arg5[%dma_wait3A_221, %dma_wait3A_222] : memref<204800x128xf32, #tpu.memory_space<hbm>> -> memref<80x128xf32, #tpu.memory_space<hbm>>
        %dma_wait3A_224 = arith.constant 0 : i32
        %dma_wait3A_225 = arith.constant 0 : i32
        %dma_wait3A_226 = tpu.memref_slice %arg5[%dma_wait3A_224, %dma_wait3A_225] : memref<204800x128xf32, #tpu.memory_space<hbm>> -> memref<80x128xf32, #tpu.memory_space<hbm>>
        tpu.wait_dma2 semaphore(%arg20 : memref<!tpu.dma_semaphore, #tpu.memory_space<semaphore_mem>>) src(%arg10 : memref<80x128xf32, #tpu.memory_space<vmem>>) dst(%dma_wait3A_226 : memref<80x128xf32, #tpu.memory_space<hbm>>)
      } else {
      }
      %lt3A_186 = arith.constant 80 : i32
      %lt3A_187 = arith.cmpi slt, %sub3A_180, %lt3A_186 : i32
      %convert_element_type3A_188 = arith.extui %lt3A_187 : i1 to i32
      %cond3A_189 = arith.constant 0 : i32
      %cond3A_190 = arith.cmpi ne, %convert_element_type3A_188, %cond3A_189 : i32
      scf.if %cond3A_190 {
        %scan3A_221 = arith.constant 0 : i32
        %scan3A_222 = arith.constant 0 : i32
        %scan3A_223 = arith.constant 40 : i32
        %scan3A_224 = arith.addi %scan3A_222, %scan3A_223 : i32
        %scan3A_225 = arith.constant 1 : i32
        %scan3A_226 = scf.for %scan3A_241 = %scan3A_222 to %scan3A_224 step %scan3A_225 iter_args(%scan3A_242 = %scan3A_221) -> (i32)  : i32 {
          %add3A_243 = arith.constant 160 : i32
          %add3A_244 = arith.addi %scan3A_241, %add3A_243 : i32
          %get3A = arith.index_cast %add3A_244 : i32 to index
          %get3A_245 = arith.constant 0 : index
          %get3A_246 = tpu.vector_load %arg7[%get3A, %get3A_245] {strides = array<i32>} : memref<200x128xf32, #tpu.memory_space<vmem>>, vector<1x16xf32>,
          %get3A_247 = vector.shape_cast %get3A_246 : vector<1x16xf32> to vector<16xf32>
          %swap3A = arith.index_cast %scan3A_241 : i32 to index
          %swap3A_248 = arith.constant 0 : index
          %swap3A_249 = tpu.vector_load %arg10[%swap3A, %swap3A_248] {strides = array<i32>} : memref<80x128xf32, #tpu.memory_space<vmem>>, vector<1x16xf32>,
          %swap3A_250 = vector.shape_cast %swap3A_249 : vector<1x16xf32> to vector<16xf32>
          %swap3A_251 = vector.shape_cast %get3A_247 : vector<16xf32> to vector<1x16xf32>
          tpu.vector_store %arg10[%swap3A, %swap3A_248], %swap3A_251 {strides = array<i32>} : memref<80x128xf32, #tpu.memory_space<vmem>>, vector<1x16xf32>,
          %add3A_252 = arith.constant 160 : i32
          %add3A_253 = arith.addi %scan3A_241, %add3A_252 : i32
          %get3A_254 = arith.index_cast %add3A_253 : i32 to index
          %get3A_255 = arith.constant 16 : index
          %get3A_256 = tpu.vector_load %arg7[%get3A_254, %get3A_255] {strides = array<i32>} : memref<200x128xf32, #tpu.memory_space<vmem>>, vector<1x16xf32>,
          %get3A_257 = vector.shape_cast %get3A_256 : vector<1x16xf32> to vector<16xf32>
          %swap3A_258 = arith.index_cast %scan3A_241 : i32 to index
          %swap3A_259 = arith.constant 16 : index
          %swap3A_260 = tpu.vector_load %arg10[%swap3A_258, %swap3A_259] {strides = array<i32>} : memref<80x128xf32, #tpu.memory_space<vmem>>, vector<1x16xf32>,
          %swap3A_261 = vector.shape_cast %swap3A_260 : vector<1x16xf32> to vector<16xf32>
          %swap3A_262 = vector.shape_cast %get3A_257 : vector<16xf32> to vector<1x16xf32>
          tpu.vector_store %arg10[%swap3A_258, %swap3A_259], %swap3A_262 {strides = array<i32>} : memref<80x128xf32, #tpu.memory_space<vmem>>, vector<1x16xf32>,
          %add3A_263 = arith.constant 160 : i32
          %add3A_264 = arith.addi %scan3A_241, %add3A_263 : i32
          %get3A_265 = arith.index_cast %add3A_264 : i32 to index
          %get3A_266 = arith.constant 32 : index
          %get3A_267 = tpu.vector_load %arg7[%get3A_265, %get3A_266] {strides = array<i32>} : memref<200x128xf32, #tpu.memory_space<vmem>>, vector<1x16xf32>,
          %get3A_268 = vector.shape_cast %get3A_267 : vector<1x16xf32> to vector<16xf32>
          %swap3A_269 = arith.index_cast %scan3A_241 : i32 to index
          %swap3A_270 = arith.constant 32 : index
          %swap3A_271 = tpu.vector_load %arg10[%swap3A_269, %swap3A_270] {strides = array<i32>} : memref<80x128xf32, #tpu.memory_space<vmem>>, vector<1x16xf32>,
          %swap3A_272 = vector.shape_cast %swap3A_271 : vector<1x16xf32> to vector<16xf32>
          %swap3A_273 = vector.shape_cast %get3A_268 : vector<16xf32> to vector<1x16xf32>
          tpu.vector_store %arg10[%swap3A_269, %swap3A_270], %swap3A_273 {strides = array<i32>} : memref<80x128xf32, #tpu.memory_space<vmem>>, vector<1x16xf32>,
          %add3A_274 = arith.constant 160 : i32
          %add3A_275 = arith.addi %scan3A_241, %add3A_274 : i32
          %get3A_276 = arith.index_cast %add3A_275 : i32 to index
          %get3A_277 = arith.constant 48 : index
          %get3A_278 = tpu.vector_load %arg7[%get3A_276, %get3A_277] {strides = array<i32>} : memref<200x128xf32, #tpu.memory_space<vmem>>, vector<1x16xf32>,
          %get3A_279 = vector.shape_cast %get3A_278 : vector<1x16xf32> to vector<16xf32>
          %swap3A_280 = arith.index_cast %scan3A_241 : i32 to index
          %swap3A_281 = arith.constant 48 : index
          %swap3A_282 = tpu.vector_load %arg10[%swap3A_280, %swap3A_281] {strides = array<i32>} : memref<80x128xf32, #tpu.memory_space<vmem>>, vector<1x16xf32>,
          %swap3A_283 = vector.shape_cast %swap3A_282 : vector<1x16xf32> to vector<16xf32>
          %swap3A_284 = vector.shape_cast %get3A_279 : vector<16xf32> to vector<1x16xf32>
          tpu.vector_store %arg10[%swap3A_280, %swap3A_281], %swap3A_284 {strides = array<i32>} : memref<80x128xf32, #tpu.memory_space<vmem>>, vector<1x16xf32>,
          %add3A_285 = arith.constant 160 : i32
          %add3A_286 = arith.addi %scan3A_241, %add3A_285 : i32
          %get3A_287 = arith.index_cast %add3A_286 : i32 to index
          %get3A_288 = arith.constant 64 : index
          %get3A_289 = tpu.vector_load %arg7[%get3A_287, %get3A_288] {strides = array<i32>} : memref<200x128xf32, #tpu.memory_space<vmem>>, vector<1x16xf32>,
          %get3A_290 = vector.shape_cast %get3A_289 : vector<1x16xf32> to vector<16xf32>
          %swap3A_291 = arith.index_cast %scan3A_241 : i32 to index
          %swap3A_292 = arith.constant 64 : index
          %swap3A_293 = tpu.vector_load %arg10[%swap3A_291, %swap3A_292] {strides = array<i32>} : memref<80x128xf32, #tpu.memory_space<vmem>>, vector<1x16xf32>,
          %swap3A_294 = vector.shape_cast %swap3A_293 : vector<1x16xf32> to vector<16xf32>
          %swap3A_295 = vector.shape_cast %get3A_290 : vector<16xf32> to vector<1x16xf32>
          tpu.vector_store %arg10[%swap3A_291, %swap3A_292], %swap3A_295 {strides = array<i32>} : memref<80x128xf32, #tpu.memory_space<vmem>>, vector<1x16xf32>,
          %add3A_296 = arith.constant 160 : i32
          %add3A_297 = arith.addi %scan3A_241, %add3A_296 : i32
          %get3A_298 = arith.index_cast %add3A_297 : i32 to index
          %get3A_299 = arith.constant 80 : index
          %get3A_300 = tpu.vector_load %arg7[%get3A_298, %get3A_299] {strides = array<i32>} : memref<200x128xf32, #tpu.memory_space<vmem>>, vector<1x16xf32>,
          %get3A_301 = vector.shape_cast %get3A_300 : vector<1x16xf32> to vector<16xf32>
          %swap3A_302 = arith.index_cast %scan3A_241 : i32 to index
          %swap3A_303 = arith.constant 80 : index
          %swap3A_304 = tpu.vector_load %arg10[%swap3A_302, %swap3A_303] {strides = array<i32>} : memref<80x128xf32, #tpu.memory_space<vmem>>, vector<1x16xf32>,
          %swap3A_305 = vector.shape_cast %swap3A_304 : vector<1x16xf32> to vector<16xf32>
          %swap3A_306 = vector.shape_cast %get3A_301 : vector<16xf32> to vector<1x16xf32>
          tpu.vector_store %arg10[%swap3A_302, %swap3A_303], %swap3A_306 {strides = array<i32>} : memref<80x128xf32, #tpu.memory_space<vmem>>, vector<1x16xf32>,
          %add3A_307 = arith.constant 160 : i32
          %add3A_308 = arith.addi %scan3A_241, %add3A_307 : i32
          %get3A_309 = arith.index_cast %add3A_308 : i32 to index
          %get3A_310 = arith.constant 96 : index
          %get3A_311 = tpu.vector_load %arg7[%get3A_309, %get3A_310] {strides = array<i32>} : memref<200x128xf32, #tpu.memory_space<vmem>>, vector<1x16xf32>,
          %get3A_312 = vector.shape_cast %get3A_311 : vector<1x16xf32> to vector<16xf32>
          %swap3A_313 = arith.index_cast %scan3A_241 : i32 to index
          %swap3A_314 = arith.constant 96 : index
          %swap3A_315 = tpu.vector_load %arg10[%swap3A_313, %swap3A_314] {strides = array<i32>} : memref<80x128xf32, #tpu.memory_space<vmem>>, vector<1x16xf32>,
          %swap3A_316 = vector.shape_cast %swap3A_315 : vector<1x16xf32> to vector<16xf32>
          %swap3A_317 = vector.shape_cast %get3A_312 : vector<16xf32> to vector<1x16xf32>
          tpu.vector_store %arg10[%swap3A_313, %swap3A_314], %swap3A_317 {strides = array<i32>} : memref<80x128xf32, #tpu.memory_space<vmem>>, vector<1x16xf32>,
          %add3A_318 = arith.constant 160 : i32
          %add3A_319 = arith.addi %scan3A_241, %add3A_318 : i32
          %get3A_320 = arith.index_cast %add3A_319 : i32 to index
          %get3A_321 = arith.constant 112 : index
          %get3A_322 = tpu.vector_load %arg7[%get3A_320, %get3A_321] {strides = array<i32>} : memref<200x128xf32, #tpu.memory_space<vmem>>, vector<1x16xf32>,
          %get3A_323 = vector.shape_cast %get3A_322 : vector<1x16xf32> to vector<16xf32>
          %swap3A_324 = arith.index_cast %scan3A_241 : i32 to index
          %swap3A_325 = arith.constant 112 : index
          %swap3A_326 = tpu.vector_load %arg10[%swap3A_324, %swap3A_325] {strides = array<i32>} : memref<80x128xf32, #tpu.memory_space<vmem>>, vector<1x16xf32>,
          %swap3A_327 = vector.shape_cast %swap3A_326 : vector<1x16xf32> to vector<16xf32>
          %swap3A_328 = vector.shape_cast %get3A_323 : vector<16xf32> to vector<1x16xf32>
          tpu.vector_store %arg10[%swap3A_324, %swap3A_325], %swap3A_328 {strides = array<i32>} : memref<80x128xf32, #tpu.memory_space<vmem>>, vector<1x16xf32>,
          %scan3A_329 = arith.constant 0 : i32
          scf.yield %scan3A_329 : i32
        }
        %scan3A_227 = arith.constant 40 : i32
        %scan3A_228 = arith.constant 0 : i32
        %scan3A_229 = arith.constant 40 : i32
        %scan3A_230 = arith.constant 40 : i32
        %scan3A_231 = arith.addi %scan3A_229, %scan3A_230 : i32
        %scan3A_232 = arith.constant 1 : i32
        %scan3A_233 = scf.for %scan3A_241 = %scan3A_229 to %scan3A_231 step %scan3A_232 iter_args(%scan3A_242 = %scan3A_228) -> (i32)  : i32 {
          %add3A_243 = arith.constant -40 : i32
          %add3A_244 = arith.addi %scan3A_241, %add3A_243 : i32
          %get3A = arith.index_cast %add3A_244 : i32 to index
          %get3A_245 = arith.constant 0 : index
          %get3A_246 = tpu.vector_load %arg7[%get3A, %get3A_245] {strides = array<i32>} : memref<200x128xf32, #tpu.memory_space<vmem>>, vector<1x16xf32>,
          %get3A_247 = vector.shape_cast %get3A_246 : vector<1x16xf32> to vector<16xf32>
          %swap3A = arith.index_cast %scan3A_241 : i32 to index
          %swap3A_248 = arith.constant 0 : index
          %swap3A_249 = tpu.vector_load %arg10[%swap3A, %swap3A_248] {strides = array<i32>} : memref<80x128xf32, #tpu.memory_space<vmem>>, vector<1x16xf32>,
          %swap3A_250 = vector.shape_cast %swap3A_249 : vector<1x16xf32> to vector<16xf32>
          %swap3A_251 = vector.shape_cast %get3A_247 : vector<16xf32> to vector<1x16xf32>
          tpu.vector_store %arg10[%swap3A, %swap3A_248], %swap3A_251 {strides = array<i32>} : memref<80x128xf32, #tpu.memory_space<vmem>>, vector<1x16xf32>,
          %add3A_252 = arith.constant -40 : i32
          %add3A_253 = arith.addi %scan3A_241, %add3A_252 : i32
          %get3A_254 = arith.index_cast %add3A_253 : i32 to index
          %get3A_255 = arith.constant 16 : index
          %get3A_256 = tpu.vector_load %arg7[%get3A_254, %get3A_255] {strides = array<i32>} : memref<200x128xf32, #tpu.memory_space<vmem>>, vector<1x16xf32>,
          %get3A_257 = vector.shape_cast %get3A_256 : vector<1x16xf32> to vector<16xf32>
          %swap3A_258 = arith.index_cast %scan3A_241 : i32 to index
          %swap3A_259 = arith.constant 16 : index
          %swap3A_260 = tpu.vector_load %arg10[%swap3A_258, %swap3A_259] {strides = array<i32>} : memref<80x128xf32, #tpu.memory_space<vmem>>, vector<1x16xf32>,
          %swap3A_261 = vector.shape_cast %swap3A_260 : vector<1x16xf32> to vector<16xf32>
          %swap3A_262 = vector.shape_cast %get3A_257 : vector<16xf32> to vector<1x16xf32>
          tpu.vector_store %arg10[%swap3A_258, %swap3A_259], %swap3A_262 {strides = array<i32>} : memref<80x128xf32, #tpu.memory_space<vmem>>, vector<1x16xf32>,
          %add3A_263 = arith.constant -40 : i32
          %add3A_264 = arith.addi %scan3A_241, %add3A_263 : i32
          %get3A_265 = arith.index_cast %add3A_264 : i32 to index
          %get3A_266 = arith.constant 32 : index
          %get3A_267 = tpu.vector_load %arg7[%get3A_265, %get3A_266] {strides = array<i32>} : memref<200x128xf32, #tpu.memory_space<vmem>>, vector<1x16xf32>,
          %get3A_268 = vector.shape_cast %get3A_267 : vector<1x16xf32> to vector<16xf32>
          %swap3A_269 = arith.index_cast %scan3A_241 : i32 to index
          %swap3A_270 = arith.constant 32 : index
          %swap3A_271 = tpu.vector_load %arg10[%swap3A_269, %swap3A_270] {strides = array<i32>} : memref<80x128xf32, #tpu.memory_space<vmem>>, vector<1x16xf32>,
          %swap3A_272 = vector.shape_cast %swap3A_271 : vector<1x16xf32> to vector<16xf32>
          %swap3A_273 = vector.shape_cast %get3A_268 : vector<16xf32> to vector<1x16xf32>
          tpu.vector_store %arg10[%swap3A_269, %swap3A_270], %swap3A_273 {strides = array<i32>} : memref<80x128xf32, #tpu.memory_space<vmem>>, vector<1x16xf32>,
          %add3A_274 = arith.constant -40 : i32
          %add3A_275 = arith.addi %scan3A_241, %add3A_274 : i32
          %get3A_276 = arith.index_cast %add3A_275 : i32 to index
          %get3A_277 = arith.constant 48 : index
          %get3A_278 = tpu.vector_load %arg7[%get3A_276, %get3A_277] {strides = array<i32>} : memref<200x128xf32, #tpu.memory_space<vmem>>, vector<1x16xf32>,
          %get3A_279 = vector.shape_cast %get3A_278 : vector<1x16xf32> to vector<16xf32>
          %swap3A_280 = arith.index_cast %scan3A_241 : i32 to index
          %swap3A_281 = arith.constant 48 : index
          %swap3A_282 = tpu.vector_load %arg10[%swap3A_280, %swap3A_281] {strides = array<i32>} : memref<80x128xf32, #tpu.memory_space<vmem>>, vector<1x16xf32>,
          %swap3A_283 = vector.shape_cast %swap3A_282 : vector<1x16xf32> to vector<16xf32>
          %swap3A_284 = vector.shape_cast %get3A_279 : vector<16xf32> to vector<1x16xf32>
          tpu.vector_store %arg10[%swap3A_280, %swap3A_281], %swap3A_284 {strides = array<i32>} : memref<80x128xf32, #tpu.memory_space<vmem>>, vector<1x16xf32>,
          %add3A_285 = arith.constant -40 : i32
          %add3A_286 = arith.addi %scan3A_241, %add3A_285 : i32
          %get3A_287 = arith.index_cast %add3A_286 : i32 to index
          %get3A_288 = arith.constant 64 : index
          %get3A_289 = tpu.vector_load %arg7[%get3A_287, %get3A_288] {strides = array<i32>} : memref<200x128xf32, #tpu.memory_space<vmem>>, vector<1x16xf32>,
          %get3A_290 = vector.shape_cast %get3A_289 : vector<1x16xf32> to vector<16xf32>
          %swap3A_291 = arith.index_cast %scan3A_241 : i32 to index
          %swap3A_292 = arith.constant 64 : index
          %swap3A_293 = tpu.vector_load %arg10[%swap3A_291, %swap3A_292] {strides = array<i32>} : memref<80x128xf32, #tpu.memory_space<vmem>>, vector<1x16xf32>,
          %swap3A_294 = vector.shape_cast %swap3A_293 : vector<1x16xf32> to vector<16xf32>
          %swap3A_295 = vector.shape_cast %get3A_290 : vector<16xf32> to vector<1x16xf32>
          tpu.vector_store %arg10[%swap3A_291, %swap3A_292], %swap3A_295 {strides = array<i32>} : memref<80x128xf32, #tpu.memory_space<vmem>>, vector<1x16xf32>,
          %add3A_296 = arith.constant -40 : i32
          %add3A_297 = arith.addi %scan3A_241, %add3A_296 : i32
          %get3A_298 = arith.index_cast %add3A_297 : i32 to index
          %get3A_299 = arith.constant 80 : index
          %get3A_300 = tpu.vector_load %arg7[%get3A_298, %get3A_299] {strides = array<i32>} : memref<200x128xf32, #tpu.memory_space<vmem>>, vector<1x16xf32>,
          %get3A_301 = vector.shape_cast %get3A_300 : vector<1x16xf32> to vector<16xf32>
          %swap3A_302 = arith.index_cast %scan3A_241 : i32 to index
          %swap3A_303 = arith.constant 80 : index
          %swap3A_304 = tpu.vector_load %arg10[%swap3A_302, %swap3A_303] {strides = array<i32>} : memref<80x128xf32, #tpu.memory_space<vmem>>, vector<1x16xf32>,
          %swap3A_305 = vector.shape_cast %swap3A_304 : vector<1x16xf32> to vector<16xf32>
          %swap3A_306 = vector.shape_cast %get3A_301 : vector<16xf32> to vector<1x16xf32>
          tpu.vector_store %arg10[%swap3A_302, %swap3A_303], %swap3A_306 {strides = array<i32>} : memref<80x128xf32, #tpu.memory_space<vmem>>, vector<1x16xf32>,
          %add3A_307 = arith.constant -40 : i32
          %add3A_308 = arith.addi %scan3A_241, %add3A_307 : i32
          %get3A_309 = arith.index_cast %add3A_308 : i32 to index
          %get3A_310 = arith.constant 96 : index
          %get3A_311 = tpu.vector_load %arg7[%get3A_309, %get3A_310] {strides = array<i32>} : memref<200x128xf32, #tpu.memory_space<vmem>>, vector<1x16xf32>,
          %get3A_312 = vector.shape_cast %get3A_311 : vector<1x16xf32> to vector<16xf32>
          %swap3A_313 = arith.index_cast %scan3A_241 : i32 to index
          %swap3A_314 = arith.constant 96 : index
          %swap3A_315 = tpu.vector_load %arg10[%swap3A_313, %swap3A_314] {strides = array<i32>} : memref<80x128xf32, #tpu.memory_space<vmem>>, vector<1x16xf32>,
          %swap3A_316 = vector.shape_cast %swap3A_315 : vector<1x16xf32> to vector<16xf32>
          %swap3A_317 = vector.shape_cast %get3A_312 : vector<16xf32> to vector<1x16xf32>
          tpu.vector_store %arg10[%swap3A_313, %swap3A_314], %swap3A_317 {strides = array<i32>} : memref<80x128xf32, #tpu.memory_space<vmem>>, vector<1x16xf32>,
          %add3A_318 = arith.constant -40 : i32
          %add3A_319 = arith.addi %scan3A_241, %add3A_318 : i32
          %get3A_320 = arith.index_cast %add3A_319 : i32 to index
          %get3A_321 = arith.constant 112 : index
          %get3A_322 = tpu.vector_load %arg7[%get3A_320, %get3A_321] {strides = array<i32>} : memref<200x128xf32, #tpu.memory_space<vmem>>, vector<1x16xf32>,
          %get3A_323 = vector.shape_cast %get3A_322 : vector<1x16xf32> to vector<16xf32>
          %swap3A_324 = arith.index_cast %scan3A_241 : i32 to index
          %swap3A_325 = arith.constant 112 : index
          %swap3A_326 = tpu.vector_load %arg10[%swap3A_324, %swap3A_325] {strides = array<i32>} : memref<80x128xf32, #tpu.memory_space<vmem>>, vector<1x16xf32>,
          %swap3A_327 = vector.shape_cast %swap3A_326 : vector<1x16xf32> to vector<16xf32>
          %swap3A_328 = vector.shape_cast %get3A_323 : vector<16xf32> to vector<1x16xf32>
          tpu.vector_store %arg10[%swap3A_324, %swap3A_325], %swap3A_328 {strides = array<i32>} : memref<80x128xf32, #tpu.memory_space<vmem>>, vector<1x16xf32>,
          %scan3A_329 = arith.constant 0 : i32
          scf.yield %scan3A_329 : i32
        }
        %scan3A_234 = arith.constant 40 : i32
        %dma_start3A_235 = arith.constant 0 : i32
        %dma_start3A_236 = tpu.memref_slice %arg6[%sub3A_180, %dma_start3A_235] : memref<80x80xi32, #tpu.memory_space<vmem>> -> memref<1x80xi32, #tpu.memory_space<vmem>>
        %dma_start3A_237 = tpu.memref_squeeze %dma_start3A_236 : memref<1x80xi32, #tpu.memory_space<vmem>> -> memref<80xi32, #tpu.memory_space<vmem>>
        %dma_start3A_238 = arith.constant 0 : i32
        %dma_start3A_239 = arith.constant 0 : i32
        %dma_start3A_240 = tpu.memref_slice %arg3[%dma_start3A_238, %dma_start3A_239] : memref<100005x128xf32, #tpu.memory_space<hbm>> -> memref<100005x128xf32, #tpu.memory_space<hbm>>
        tpu.enqueue_indirect_dma source(%dma_start3A_240 : memref<100005x128xf32, #tpu.memory_space<hbm>>) target(%arg10 : memref<80x128xf32, #tpu.memory_space<vmem>>) offsets(%dma_start3A_237 : memref<80xi32, #tpu.memory_space<vmem>>) semaphore(%arg15 : memref<!tpu.dma_semaphore, #tpu.memory_space<semaphore_mem>>) {add = true}
      } else {
      }
      %add3A_191 = arith.constant 4 : i32
      %add3A_192 = arith.addi %mul3A_79, %add3A_191 : i32
      %dma_wait3A_193 = arith.constant 0 : i32
      %dma_wait3A_194 = tpu.memref_slice %arg6[%add3A_192, %dma_wait3A_193] : memref<80x80xi32, #tpu.memory_space<vmem>> -> memref<1x80xi32, #tpu.memory_space<vmem>>
      %dma_wait3A_195 = tpu.memref_squeeze %dma_wait3A_194 : memref<1x80xi32, #tpu.memory_space<vmem>> -> memref<80xi32, #tpu.memory_space<vmem>>
      %dma_wait3A_196 = arith.constant 0 : i32
      %dma_wait3A_197 = arith.constant 0 : i32
      %dma_wait3A_198 = tpu.memref_slice %arg3[%dma_wait3A_196, %dma_wait3A_197] : memref<100005x128xf32, #tpu.memory_space<hbm>> -> memref<100005x128xf32, #tpu.memory_space<hbm>>
      tpu.wait_indirect_dma semaphore(%arg17 : memref<!tpu.dma_semaphore, #tpu.memory_space<semaphore_mem>>) src(%dma_wait3A_198 : memref<100005x128xf32, #tpu.memory_space<hbm>>) dst(%arg12 : memref<80x128xf32, #tpu.memory_space<vmem>>)
      %mul3A_199 = arith.constant 80 : i32
      %mul3A_200 = arith.muli %add3A_192, %mul3A_199 : i32
      %add3A_201 = arith.addi %mul3A_2, %mul3A_200 : i32
      %dma_start3A_202 = arith.constant 0 : i32
      %dma_start3A_203 = tpu.memref_slice %arg5[%add3A_201, %dma_start3A_202] : memref<204800x128xf32, #tpu.memory_space<hbm>> -> memref<80x128xf32, #tpu.memory_space<hbm>>
      %dma_start3A_204 = arith.constant 0 : i32
      %dma_start3A_205 = tpu.memref_slice %arg5[%add3A_201, %dma_start3A_204] : memref<204800x128xf32, #tpu.memory_space<hbm>> -> memref<80x128xf32, #tpu.memory_space<hbm>>
      tpu.enqueue_dma source(%arg12 : memref<80x128xf32, #tpu.memory_space<vmem>>) target(%dma_start3A_205 : memref<80x128xf32, #tpu.memory_space<hbm>>) target_semaphore(%arg22 : memref<!tpu.dma_semaphore, #tpu.memory_space<semaphore_mem>>)
      %add3A_206 = arith.constant 5 : i32
      %add3A_207 = arith.addi %add3A_192, %add3A_206 : i32
      %sub3A_208 = arith.constant 1 : i32
      %sub3A_209 = arith.subi %add3A_207, %sub3A_208 : i32
      %ge3A_210 = arith.constant 1 : i32
      %ge3A_211 = arith.cmpi sge, %add3A_192, %ge3A_210 : i32
      %convert_element_type3A_212 = arith.extui %ge3A_211 : i1 to i32
      %cond3A_213 = arith.constant 0 : i32
      %cond3A_214 = arith.cmpi ne, %convert_element_type3A_212, %cond3A_213 : i32
      scf.if %cond3A_214 {
        %dma_wait3A_221 = arith.constant 0 : i32
        %dma_wait3A_222 = arith.constant 0 : i32
        %dma_wait3A_223 = tpu.memref_slice %arg5[%dma_wait3A_221, %dma_wait3A_222] : memref<204800x128xf32, #tpu.memory_space<hbm>> -> memref<80x128xf32, #tpu.memory_space<hbm>>
        %dma_wait3A_224 = arith.constant 0 : i32
        %dma_wait3A_225 = arith.constant 0 : i32
        %dma_wait3A_226 = tpu.memref_slice %arg5[%dma_wait3A_224, %dma_wait3A_225] : memref<204800x128xf32, #tpu.memory_space<hbm>> -> memref<80x128xf32, #tpu.memory_space<hbm>>
        tpu.wait_dma2 semaphore(%arg21 : memref<!tpu.dma_semaphore, #tpu.memory_space<semaphore_mem>>) src(%arg11 : memref<80x128xf32, #tpu.memory_space<vmem>>) dst(%dma_wait3A_226 : memref<80x128xf32, #tpu.memory_space<hbm>>)
      } else {
      }
      %lt3A_215 = arith.constant 80 : i32
      %lt3A_216 = arith.cmpi slt, %sub3A_209, %lt3A_215 : i32
      %convert_element_type3A_217 = arith.extui %lt3A_216 : i1 to i32
      %cond3A_218 = arith.constant 0 : i32
      %cond3A_219 = arith.cmpi ne, %convert_element_type3A_217, %cond3A_218 : i32
      scf.if %cond3A_219 {
        %scan3A_221 = arith.constant 0 : i32
        %scan3A_222 = arith.constant 0 : i32
        %scan3A_223 = arith.constant 80 : i32
        %scan3A_224 = arith.addi %scan3A_222, %scan3A_223 : i32
        %scan3A_225 = arith.constant 1 : i32
        %scan3A_226 = scf.for %scan3A_234 = %scan3A_222 to %scan3A_224 step %scan3A_225 iter_args(%scan3A_235 = %scan3A_221) -> (i32)  : i32 {
          %add3A_236 = arith.constant 40 : i32
          %add3A_237 = arith.addi %scan3A_234, %add3A_236 : i32
          %get3A = arith.index_cast %add3A_237 : i32 to index
          %get3A_238 = arith.constant 0 : index
          %get3A_239 = tpu.vector_load %arg7[%get3A, %get3A_238] {strides = array<i32>} : memref<200x128xf32, #tpu.memory_space<vmem>>, vector<1x16xf32>,
          %get3A_240 = vector.shape_cast %get3A_239 : vector<1x16xf32> to vector<16xf32>
          %swap3A = arith.index_cast %scan3A_234 : i32 to index
          %swap3A_241 = arith.constant 0 : index
          %swap3A_242 = tpu.vector_load %arg11[%swap3A, %swap3A_241] {strides = array<i32>} : memref<80x128xf32, #tpu.memory_space<vmem>>, vector<1x16xf32>,
          %swap3A_243 = vector.shape_cast %swap3A_242 : vector<1x16xf32> to vector<16xf32>
          %swap3A_244 = vector.shape_cast %get3A_240 : vector<16xf32> to vector<1x16xf32>
          tpu.vector_store %arg11[%swap3A, %swap3A_241], %swap3A_244 {strides = array<i32>} : memref<80x128xf32, #tpu.memory_space<vmem>>, vector<1x16xf32>,
          %add3A_245 = arith.constant 40 : i32
          %add3A_246 = arith.addi %scan3A_234, %add3A_245 : i32
          %get3A_247 = arith.index_cast %add3A_246 : i32 to index
          %get3A_248 = arith.constant 16 : index
          %get3A_249 = tpu.vector_load %arg7[%get3A_247, %get3A_248] {strides = array<i32>} : memref<200x128xf32, #tpu.memory_space<vmem>>, vector<1x16xf32>,
          %get3A_250 = vector.shape_cast %get3A_249 : vector<1x16xf32> to vector<16xf32>
          %swap3A_251 = arith.index_cast %scan3A_234 : i32 to index
          %swap3A_252 = arith.constant 16 : index
          %swap3A_253 = tpu.vector_load %arg11[%swap3A_251, %swap3A_252] {strides = array<i32>} : memref<80x128xf32, #tpu.memory_space<vmem>>, vector<1x16xf32>,
          %swap3A_254 = vector.shape_cast %swap3A_253 : vector<1x16xf32> to vector<16xf32>
          %swap3A_255 = vector.shape_cast %get3A_250 : vector<16xf32> to vector<1x16xf32>
          tpu.vector_store %arg11[%swap3A_251, %swap3A_252], %swap3A_255 {strides = array<i32>} : memref<80x128xf32, #tpu.memory_space<vmem>>, vector<1x16xf32>,
          %add3A_256 = arith.constant 40 : i32
          %add3A_257 = arith.addi %scan3A_234, %add3A_256 : i32
          %get3A_258 = arith.index_cast %add3A_257 : i32 to index
          %get3A_259 = arith.constant 32 : index
          %get3A_260 = tpu.vector_load %arg7[%get3A_258, %get3A_259] {strides = array<i32>} : memref<200x128xf32, #tpu.memory_space<vmem>>, vector<1x16xf32>,
          %get3A_261 = vector.shape_cast %get3A_260 : vector<1x16xf32> to vector<16xf32>
          %swap3A_262 = arith.index_cast %scan3A_234 : i32 to index
          %swap3A_263 = arith.constant 32 : index
          %swap3A_264 = tpu.vector_load %arg11[%swap3A_262, %swap3A_263] {strides = array<i32>} : memref<80x128xf32, #tpu.memory_space<vmem>>, vector<1x16xf32>,
          %swap3A_265 = vector.shape_cast %swap3A_264 : vector<1x16xf32> to vector<16xf32>
          %swap3A_266 = vector.shape_cast %get3A_261 : vector<16xf32> to vector<1x16xf32>
          tpu.vector_store %arg11[%swap3A_262, %swap3A_263], %swap3A_266 {strides = array<i32>} : memref<80x128xf32, #tpu.memory_space<vmem>>, vector<1x16xf32>,
          %add3A_267 = arith.constant 40 : i32
          %add3A_268 = arith.addi %scan3A_234, %add3A_267 : i32
          %get3A_269 = arith.index_cast %add3A_268 : i32 to index
          %get3A_270 = arith.constant 48 : index
          %get3A_271 = tpu.vector_load %arg7[%get3A_269, %get3A_270] {strides = array<i32>} : memref<200x128xf32, #tpu.memory_space<vmem>>, vector<1x16xf32>,
          %get3A_272 = vector.shape_cast %get3A_271 : vector<1x16xf32> to vector<16xf32>
          %swap3A_273 = arith.index_cast %scan3A_234 : i32 to index
          %swap3A_274 = arith.constant 48 : index
          %swap3A_275 = tpu.vector_load %arg11[%swap3A_273, %swap3A_274] {strides = array<i32>} : memref<80x128xf32, #tpu.memory_space<vmem>>, vector<1x16xf32>,
          %swap3A_276 = vector.shape_cast %swap3A_275 : vector<1x16xf32> to vector<16xf32>
          %swap3A_277 = vector.shape_cast %get3A_272 : vector<16xf32> to vector<1x16xf32>
          tpu.vector_store %arg11[%swap3A_273, %swap3A_274], %swap3A_277 {strides = array<i32>} : memref<80x128xf32, #tpu.memory_space<vmem>>, vector<1x16xf32>,
          %add3A_278 = arith.constant 40 : i32
          %add3A_279 = arith.addi %scan3A_234, %add3A_278 : i32
          %get3A_280 = arith.index_cast %add3A_279 : i32 to index
          %get3A_281 = arith.constant 64 : index
          %get3A_282 = tpu.vector_load %arg7[%get3A_280, %get3A_281] {strides = array<i32>} : memref<200x128xf32, #tpu.memory_space<vmem>>, vector<1x16xf32>,
          %get3A_283 = vector.shape_cast %get3A_282 : vector<1x16xf32> to vector<16xf32>
          %swap3A_284 = arith.index_cast %scan3A_234 : i32 to index
          %swap3A_285 = arith.constant 64 : index
          %swap3A_286 = tpu.vector_load %arg11[%swap3A_284, %swap3A_285] {strides = array<i32>} : memref<80x128xf32, #tpu.memory_space<vmem>>, vector<1x16xf32>,
          %swap3A_287 = vector.shape_cast %swap3A_286 : vector<1x16xf32> to vector<16xf32>
          %swap3A_288 = vector.shape_cast %get3A_283 : vector<16xf32> to vector<1x16xf32>
          tpu.vector_store %arg11[%swap3A_284, %swap3A_285], %swap3A_288 {strides = array<i32>} : memref<80x128xf32, #tpu.memory_space<vmem>>, vector<1x16xf32>,
          %add3A_289 = arith.constant 40 : i32
          %add3A_290 = arith.addi %scan3A_234, %add3A_289 : i32
          %get3A_291 = arith.index_cast %add3A_290 : i32 to index
          %get3A_292 = arith.constant 80 : index
          %get3A_293 = tpu.vector_load %arg7[%get3A_291, %get3A_292] {strides = array<i32>} : memref<200x128xf32, #tpu.memory_space<vmem>>, vector<1x16xf32>,
          %get3A_294 = vector.shape_cast %get3A_293 : vector<1x16xf32> to vector<16xf32>
          %swap3A_295 = arith.index_cast %scan3A_234 : i32 to index
          %swap3A_296 = arith.constant 80 : index
          %swap3A_297 = tpu.vector_load %arg11[%swap3A_295, %swap3A_296] {strides = array<i32>} : memref<80x128xf32, #tpu.memory_space<vmem>>, vector<1x16xf32>,
          %swap3A_298 = vector.shape_cast %swap3A_297 : vector<1x16xf32> to vector<16xf32>
          %swap3A_299 = vector.shape_cast %get3A_294 : vector<16xf32> to vector<1x16xf32>
          tpu.vector_store %arg11[%swap3A_295, %swap3A_296], %swap3A_299 {strides = array<i32>} : memref<80x128xf32, #tpu.memory_space<vmem>>, vector<1x16xf32>,
          %add3A_300 = arith.constant 40 : i32
          %add3A_301 = arith.addi %scan3A_234, %add3A_300 : i32
          %get3A_302 = arith.index_cast %add3A_301 : i32 to index
          %get3A_303 = arith.constant 96 : index
          %get3A_304 = tpu.vector_load %arg7[%get3A_302, %get3A_303] {strides = array<i32>} : memref<200x128xf32, #tpu.memory_space<vmem>>, vector<1x16xf32>,
          %get3A_305 = vector.shape_cast %get3A_304 : vector<1x16xf32> to vector<16xf32>
          %swap3A_306 = arith.index_cast %scan3A_234 : i32 to index
          %swap3A_307 = arith.constant 96 : index
          %swap3A_308 = tpu.vector_load %arg11[%swap3A_306, %swap3A_307] {strides = array<i32>} : memref<80x128xf32, #tpu.memory_space<vmem>>, vector<1x16xf32>,
          %swap3A_309 = vector.shape_cast %swap3A_308 : vector<1x16xf32> to vector<16xf32>
          %swap3A_310 = vector.shape_cast %get3A_305 : vector<16xf32> to vector<1x16xf32>
          tpu.vector_store %arg11[%swap3A_306, %swap3A_307], %swap3A_310 {strides = array<i32>} : memref<80x128xf32, #tpu.memory_space<vmem>>, vector<1x16xf32>,
          %add3A_311 = arith.constant 40 : i32
          %add3A_312 = arith.addi %scan3A_234, %add3A_311 : i32
          %get3A_313 = arith.index_cast %add3A_312 : i32 to index
          %get3A_314 = arith.constant 112 : index
          %get3A_315 = tpu.vector_load %arg7[%get3A_313, %get3A_314] {strides = array<i32>} : memref<200x128xf32, #tpu.memory_space<vmem>>, vector<1x16xf32>,
          %get3A_316 = vector.shape_cast %get3A_315 : vector<1x16xf32> to vector<16xf32>
          %swap3A_317 = arith.index_cast %scan3A_234 : i32 to index
          %swap3A_318 = arith.constant 112 : index
          %swap3A_319 = tpu.vector_load %arg11[%swap3A_317, %swap3A_318] {strides = array<i32>} : memref<80x128xf32, #tpu.memory_space<vmem>>, vector<1x16xf32>,
          %swap3A_320 = vector.shape_cast %swap3A_319 : vector<1x16xf32> to vector<16xf32>
          %swap3A_321 = vector.shape_cast %get3A_316 : vector<16xf32> to vector<1x16xf32>
          tpu.vector_store %arg11[%swap3A_317, %swap3A_318], %swap3A_321 {strides = array<i32>} : memref<80x128xf32, #tpu.memory_space<vmem>>, vector<1x16xf32>,
          %scan3A_322 = arith.constant 0 : i32
          scf.yield %scan3A_322 : i32
        }
        %scan3A_227 = arith.constant 80 : i32
        %dma_start3A_228 = arith.constant 0 : i32
        %dma_start3A_229 = tpu.memref_slice %arg6[%sub3A_209, %dma_start3A_228] : memref<80x80xi32, #tpu.memory_space<vmem>> -> memref<1x80xi32, #tpu.memory_space<vmem>>
        %dma_start3A_230 = tpu.memref_squeeze %dma_start3A_229 : memref<1x80xi32, #tpu.memory_space<vmem>> -> memref<80xi32, #tpu.memory_space<vmem>>
        %dma_start3A_231 = arith.constant 0 : i32
        %dma_start3A_232 = arith.constant 0 : i32
        %dma_start3A_233 = tpu.memref_slice %arg3[%dma_start3A_231, %dma_start3A_232] : memref<100005x128xf32, #tpu.memory_space<hbm>> -> memref<100005x128xf32, #tpu.memory_space<hbm>>
        tpu.enqueue_indirect_dma source(%dma_start3A_233 : memref<100005x128xf32, #tpu.memory_space<hbm>>) target(%arg11 : memref<80x128xf32, #tpu.memory_space<vmem>>) offsets(%dma_start3A_230 : memref<80xi32, #tpu.memory_space<vmem>>) semaphore(%arg16 : memref<!tpu.dma_semaphore, #tpu.memory_space<semaphore_mem>>) {add = true}
      } else {
      }
      %scan3A_220 = arith.constant 0 : i32
      scf.yield %scan3A_220 : i32
    }
    %scan3A_70 = arith.constant 16 : i32
    %dma_wait3A = arith.constant 0 : i32
    %dma_wait3A_71 = arith.constant 0 : i32
    %dma_wait3A_72 = tpu.memref_slice %arg5[%dma_wait3A, %dma_wait3A_71] : memref<204800x128xf32, #tpu.memory_space<hbm>> -> memref<80x128xf32, #tpu.memory_space<hbm>>
    %dma_wait3A_73 = arith.constant 0 : i32
    %dma_wait3A_74 = arith.constant 0 : i32
    %dma_wait3A_75 = tpu.memref_slice %arg5[%dma_wait3A_73, %dma_wait3A_74] : memref<204800x128xf32, #tpu.memory_space<hbm>> -> memref<80x128xf32, #tpu.memory_space<hbm>>
    tpu.wait_dma2 semaphore(%arg22 : memref<!tpu.dma_semaphore, #tpu.memory_space<semaphore_mem>>) src(%arg12 : memref<80x128xf32, #tpu.memory_space<vmem>>) dst(%dma_wait3A_75 : memref<80x128xf32, #tpu.memory_space<hbm>>)
    return
  }
}

</mosaic_0001>

<sc_bundles>
// kernel: _sc_embed.3.cloned.1.call-start
scs
__scs_entry_jumppad:
0x0: {  	(pc) =	sbr.rel $0x88, $3  }
0x1: {  	(tag) =	ssettag $0x0;
	lr =	simm.s32 $0x1  }
0x2: {  	[smem:$0x3F9E] =	sst lr;
	_ =	strace $0xD0000000  }
0x3: {  	_ = 	snop  }
0x4: {  	_ = 	snop  }
0x5: {  	_ = 	snop  }
0x6: {  	_ = 	snop  }
0x7: {  	_ = 	snop  }
__scs_overlays_trampoline_lowered:
0x8: {  	[smem:$0x3FAD] =	sst s0  }
0x9: {  	[smem:$0x3FAE] =	sst s1  }
0xa: {  	[smem:$0x3FAF] =	sst s2  }
0xb: {  	[smem:$0x3FB0] =	sst s3  }
0xc: {  	[smem:$0x3FB1] =	sst s4  }
0xd: {  	[smem:$0x3FB2] =	sst s5  }
0xe: {  	[smem:$0x3FB3] =	sst s6  }
0xf: {  	[smem:$0x3FB4] =	sst s7  }
0x10: {  	[smem:$0x3FB5] =	sst s8  }
0x11: {  	[smem:$0x3FB6] =	sst s9;
	s0 =	simm.s32 @!p0 $0x0  }
0x12: {  	s1 =	sld [smem:$0x3F9C];
	s0 =	simm.s32 @p0 $0x1  }
0x13: {  	[smem:$0x3FB7] =	sst s0;
	s0 =	simm.s32 @!p1 $0x0  }
0x14: {  	s2 =	sld [smem:$0x3F9B];
	s0 =	simm.s32 @p1 $0x1  }
0x15: {  	[smem:$0x3FB8] =	sst s0;
	s0 =	simm.s32 @!p2 $0x0  }
0x16: {  	s3 =	sld [smem:$0x3FDB];
	s0 =	simm.s32 @p2 $0x1  }
0x17: {  	s4 =	simm.s32 $0x1BF5;
	[smem:$0x3FBA] =	sst s0  }
0x18: {  	s0 =	sld [smem:$0x3F9D];
	_ =	swait.ge [sflag:s4], $0x0  }
0x19: {  	s7 =	sld [smem:$0x3F9E]  }
0x1a: {  	s8 =	sadd.s32 $0xFFFFE003, lr  }
0x1b: {  	s9 =	sadd.s32 $0xFFFFFEF7, lr;
	s5 =	simm.s32 $0xFFFFFFFF;
	p2 =	slt.u32 s8, $0xFFFFF086  }
0x1c: {  	p1 =	slt.u32 s9, $0xF7A;
	s5 =	simm.s32 @!p2 $0x0  }
0x1d: {  	s5 =	simm.s32 @p1 $0x1;
	p0 =	seq.s32 s7, s2  }
0x1e: {  	s7 =	smul.u32 @!p0 $0xF7A, s2;
	p2 =	seq.s32 @!p0 s5, $0x0  }
0x1f: {  	s9 =	smul.u32 $0xF7A, s1;
	s8 =	simm.s32 @!p0 $0x1BF5;
	p2 =	por !p2, p0  }
0x20: {  	[sflag:s8] =	ssyncset.s32 @!p0 $0xFFFFF086;
	s6 =	sadd.s32 @!p0 s3, s7;
	s7 =	simm.s32 @!p0 $0x108  }
0x21: {  	s3 =	sadd.s32 s3, s9;
	s6 =	sadd.s32 @!p0 $0x88, s6;
	s7 =	simm.s32 @p2 $0x1082  }
0x22: {  	[simem:s7], [sflag:s8] =	dma.local @!p0 [hbm:s6], $0xF7A  }
0x23: {  	s9 =	sor.u32 $0xD0000000, s2;
	s6 =	simm.s32 $0x108;
	_ =	swait.ge @!p0 [sflag:s8], $0x0  }
0x24: {  	s3 =	sadd.s32 $0x88, s3;
	s6 =	simm.s32 @!p1 $0x1082;
	[sflag:s4] =	ssyncset.s32 $0xFFFFF086  }
0x25: {  	[simem:s6], [sflag:s4] =	dma.local [hbm:s3], $0xF7A  }
0x26: {  	[smem:$0x3F9E] =	sst s1;
	(tag) =	ssettag s2;
	_ =	strace s9  }
0x27: {  	s1 =	sld [smem:$0x3FAE]  }
0x28: {  	s2 =	sld [smem:$0x3FAF]  }
0x29: {  	s4 =	sld [smem:$0x3FB1]  }
0x2a: {  	p0 =	seq.s32 s5, $0x0;
	s5 =	sld [smem:$0x3FB2]  }
0x2b: {  	s6 =	sld [smem:$0x3FB3]  }
0x2c: {  	s7 =	sld [smem:$0x3FB4]  }
0x2d: {  	s3 =	simm.s32 $0x108;
	s8 =	sld [smem:$0x3FB5]  }
0x2e: {  	s3 =	simm.s32 @!p0 $0x1082;
	s9 =	sld [smem:$0x3FB6]  }
0x2f: {  	lr =	sadd.s32 s0, s3;
	s0 =	sld [smem:$0x3FAD]  }
0x30: {  	s3 =	sld [smem:$0x3FB0]  }
0x31: {  	[smem:$0x3FB9] =	sst s10  }
0x32: {  	s10 =	sld [smem:$0x3FB7];
	_ =	sdelay $0x3  }
0x33: {  	p0 =	seq.s32 s10, $0x1;
	s10 =	sld [smem:$0x3FB9];
	_ =	sdelay $0x3  }
0x34: {  	[smem:$0x3FB9] =	sst s10  }
0x35: {  	s10 =	sld [smem:$0x3FB8];
	_ =	sdelay $0x3  }
0x36: {  	p1 =	seq.s32 s10, $0x1;
	s10 =	sld [smem:$0x3FB9];
	_ =	sdelay $0x3  }
0x37: {  	[smem:$0x3FB9] =	sst s10  }
0x38: {  	s10 =	sld [smem:$0x3FBA]  }
0x39: {  	_ = 	snop;
	(pc) =	sbr.ind lr, $3  }
0x3a: {  	_ = 	snop  }
0x3b: {  	_ = 	snop  }
0x3c: {  	p2 =	seq.s32 s10, $0x1;
	s10 =	sld [smem:$0x3FB9]  }
0x3d: {  	_ =	shalt  }
0x3e: {  	_ =	shalt  }
0x3f: {  	_ =	shalt  }
0x40: {  	_ =	shalt  }
0x41: {  	_ =	shalt  }
0x42: {  	_ =	shalt  }
0x43: {  	_ =	shalt  }
0x44: {  	_ =	shalt  }
0x45: {  	_ =	shalt  }
0x46: {  	_ =	shalt  }
0x47: {  	_ =	shalt  }
0x48: {  	_ =	shalt  }
0x49: {  	_ =	shalt  }
0x4a: {  	_ =	shalt  }
0x4b: {  	_ =	shalt  }
0x4c: {  	_ =	shalt  }
0x4d: {  	_ =	shalt  }
0x4e: {  	_ =	shalt  }
0x4f: {  	_ =	shalt  }
0x50: {  	_ =	shalt  }
0x51: {  	_ =	shalt  }
0x52: {  	_ =	shalt  }
0x53: {  	_ =	shalt  }
0x54: {  	_ =	shalt  }
0x55: {  	_ =	shalt  }
0x56: {  	_ =	shalt  }
0x57: {  	_ =	shalt  }
0x58: {  	_ =	shalt  }
0x59: {  	_ =	shalt  }
0x5a: {  	_ =	shalt  }
0x5b: {  	_ =	shalt  }
0x5c: {  	_ =	shalt  }
0x5d: {  	_ =	shalt  }
0x5e: {  	_ =	shalt  }
0x5f: {  	_ =	shalt  }
0x60: {  	_ =	shalt  }
0x61: {  	_ =	shalt  }
0x62: {  	_ =	shalt  }
0x63: {  	_ =	shalt  }
0x64: {  	_ =	shalt  }
0x65: {  	_ =	shalt  }
0x66: {  	_ =	shalt  }
0x67: {  	_ =	shalt  }
0x68: {  	_ =	shalt  }
0x69: {  	_ =	shalt  }
0x6a: {  	_ =	shalt  }
0x6b: {  	_ =	shalt  }
0x6c: {  	_ =	shalt  }
0x6d: {  	_ =	shalt  }
0x6e: {  	_ =	shalt  }
0x6f: {  	_ =	shalt  }
0x70: {  	_ =	shalt  }
0x71: {  	_ =	shalt  }
0x72: {  	_ =	shalt  }
0x73: {  	_ =	shalt  }
0x74: {  	_ =	shalt  }
0x75: {  	_ =	shalt  }
0x76: {  	_ =	shalt  }
0x77: {  	_ =	shalt  }
0x78: {  	_ =	shalt  }
0x79: {  	_ =	shalt  }
0x7a: {  	_ =	shalt  }
0x7b: {  	_ =	shalt  }
0x7c: {  	_ =	shalt  }
0x7d: {  	_ =	shalt  }
0x7e: {  	_ =	shalt  }
0x7f: {  	_ =	shalt  }
0x80: {  	_ =	shalt  }
0x81: {  	_ =	shalt  }
0x82: {  	_ =	shalt  }
0x83: {  	_ =	shalt  }
0x84: {  	_ =	shalt  }
0x85: {  	_ =	shalt  }
0x86: {  	_ =	shalt  }
0x87: {  	_ =	shalt  }
.Lfunc_end0:
.L_simem_size_0:
called_computation_lowered:
.L_overlay_start_0:
0x88: {  	s2 =	sld [smem:$0x3FD9]  }
0x89: {  	s3 =	sld [smem:$0x3FFE];
	_ =	sdelay $0x1  }
0x8a: {  	s1 =	srdreg.scid  }
0x8b: {  	s0 =	sand.u32 $0x1, s1  }
0x8c: {  	s18 =	sshll.u32 s0, $0xA;
	s2 =	sadd.s32 s3, s2  }
0x8d: {  	s2 =	sadd.s32 s2, s18  }
0x8e: {  	[smem:$0x3FC5] =	sst s2  }
0x8f: {  	_ = 	snop  }
0x90: {  	s2 =	sld [smem:$0x3FC9]  }
0x91: {  	s19 =	sld [smem:$0x3FC8]  }
0x92: {  	s4 =	sld [smem:$0x3FC7]  }
0x93: {  	s5 =	sld [smem:$0x3FD0];
	(tm) =	ssettm $0x1  }
0x94: {  	s6 =	sld [smem:$0x3FFB];
	_ =	sdelay $0x3  }
0x95: {  	_ =	strace s6  }
0x96: {  	s6 =	sld [smem:$0x3FFC];
	_ =	sdelay $0x3  }
0x97: {  	_ =	strace s6  }
0x98: {  	s6 =	sld [smem:$0x3FFD];
	_ =	sdelay $0x3  }
0x99: {  	_ =	strace s6  }
0x9a: {  	_ =	strace $0x8FFFFFFF  }
0x9b: {  	s20 =	sld [smem:$0x3FDB];
	_ =	sdelay $0x1  }
0x9c: {  	s7 =	simm.s32 $_scs_section_size  }
0x9d: {  	s8 =	simm.s32 $_size__tile_overlayer_lowered;
	s9 =	simm.s32 $_tile_overlayer_lowered  }
0x9e: {  	s23 =	simm.s32 $0x1BFF;
	s22 =	sshll.u32 s9, $0x1;
	s6 =	sadd.s32 s7, s20  }
0x9f: {  	s10 =	simm.s32 $0x0;
	s21 =	sshll.u32 s8, $0x1;
	s8 =	sadd.s32 s22, s6  }
0xa0: {  	[timem:s10], [sflag:s23] =	dma.local [hbm:s8], s21  }
0xa1: {  	_ =	swait.ge [sflag:s23], s21  }
0xa2: {  	s7 =	ssub.s32 $0x0, s21;
	[sflag:s23] =	ssyncset.done $0x0  }
0xa3: {  	[sflag:s23] =	ssyncadd.s32 s7;
	_ =	sdelay $0x1  }
0xa4: {  	s24 =	simm.s32 $0x1B8B  }
0xa5: {  	_ =	swait.ge [sflag:s24], $0x1  }
0xa6: {  	[sflag:s24] =	ssyncset.done $0x0  }
0xa7: {  	s25 =	simm.s32 $0x1B8E;
	[sflag:s24] =	ssyncadd.s32 $0xFFFFFFFF  }
0xa8: {  	s26 =	simm.s32 $execute0_lowered;
	[smem:$0x3FD2] =	sst s25  }
0xa9: {  	s7 =	sshll.u32 s26, $0x1;
	_ =	strace $0x80000046;
	[dreg:$0x1] =	wrdreg $0xFFFFFFFF  }
0xaa: {  	s28 =	simm.s32 $_size_execute0_lowered;
	s6 =	sadd.s32 s6, s7;
	[dreg:$0x0] =	wrdreg $0x0  }
0xab: {  	s7 =	sshll.u32 s28, $0x1;
	[dreg:$0x2] =	wrdreg s6  }
0xac: {  	[dreg:$0x3] =	wrdreg s7  }
0xad: {  	[dreg:$0x4] =	wrdreg $0xC0  }
0xae: {  	_ =	task [dreg:s10], $0x5FFFF  }
0xaf: {  	[dreg:$0x1] =	wrdreg $0xFFFFFFFF  }
0xb0: {  	[dreg:$0x0] =	wrdreg $0x60  }
0xb1: {  	[dreg:$0x2] =	wrdreg s2  }
0xb2: {  	[dreg:$0x3] =	wrdreg s19  }
0xb3: {  	[dreg:$0x4] =	wrdreg s4  }
0xb4: {  	[dreg:$0x5] =	wrdreg s5  }
0xb5: {  	[dreg:$0x6] =	wrdreg $0x9  }
0xb6: {  	_ =	task.clear_ibuf [dreg:s10], $0x7FFFF;
	_ =	strace $0x90000046  }
0xb7: {  	s29 =	simm.s32 $0x9;
	_ =	strace $0x80000048  }
0xb8: {  	_ =	swait.ge [sflag:s29], $0x1  }
0xb9: {  	[sflag:s29] =	ssyncadd.s32 $0xFFFFFFFF  }
0xba: {  	_ =	strace $0x90000048  }
0xbb: {  	_ =	sfence  }
0xbc: {  	s30 =	sld [smem:$0x0];
	_ =	sdelay $0x2  }
0xbd: {  	s31 =	sshll.u32 s1, $0xD;
	s1 =	sshrl.u32 s1, $0x2  }
0xbe: {  	s3 =	sand.u32 $0x4000, s31;
	s1 =	sadd.s32 s1, s30  }
0xbf: {  	s0 =	sor.u32 s3, s0;
	s1 =	sshll.u32 s1, $0x11  }
0xc0: {  	s0 =	sor.u32 s1, s0  }
0xc1: {  	s0 =	sadd.s32 $0x8F2B, s0  }
0xc2: {  	[sflag:s0] =	ssyncadd.remote.s32 $0x1  }
0xc3: {  	_ =	sfence.sel $0xFFFF  }
0xc4: {  	[dreg:$0x0] =	wrdreg $0xFFFFFFFF;
	(pc) =	sbr.abs _section_cstart, $3  }
0xc5: {  	[dreg:$0x1] =	wrdreg $0xFFFFFFFF  }
0xc6: {  	_ =	task.clear_ibuf [dreg:s10], $0x2FFFF;
	_ =	strace $0x9FFFFFFF  }
0xc7: {  	(tm) =	ssettm $0x7FFFFFFF  }
tec
execute0_lowered:
.L_overlay_start_1:
0x0: {  	(tag) =	ssettag $0x1  }
0x1: {  	s0 =	rddreg [dreg:$0x0]  }
0x2: {  	s1 =	rddreg [dreg:$0x1];
	s2 =	srdreg.scid  }
0x3: {  	s3 =	stileid.u32;
	s4 =	rddreg [dreg:$0x3]  }
0x4: {  	s5 =	simm.s32 $0x0;
	s12 =	simm.s32 $0xB;
	s14 =	simm.s32 $0x50  }
0x5: {  	s15 =	simm.s32 $0x8C00;
	s17 =	simm.s32 $0xB400;
	s19 =	simm.s32 $0xDC00  }
0x6: {  	s21 =	simm.s32 $0x10400;
	s22 =	simm.s32 $0x1;
	s23 =	simm.s32 $0x12C00  }
0x7: {  	s24 =	simm.s32 $0x2;
	s2 =	sand.u32 $0x1, s2;
	s3 =	sshll.u32 s3, $0x1  }
0x8: {  	s25 =	simm.s32 $0x6;
	s28 =	simm.s32 $0x7;
	s3 =	sor.u32 s2, s3  }
0x9: {  	s29 =	simm.s32 $0x4;
	s30 =	simm.s32 $0x8;
	s6 =	smul.u32 $0x1900, s3  }
0xa: {  	s31 =	simm.s32 $0x5;
	s2 =	ssub.s32 $0x2, s2;
	s3 =	smul.u32 $0x500, s3  }
.Ltmp0:
0xb: {  	[smem:$0x7FF] =	sst s5;
	s7 =	sshrl.u32 s2, $0x1;
	(pc) =	sbr.rel .LBB2_1-.Ltmp0, $4  }
0xc: {  	_ =	strace $0x80000047;
	s2 =	ssub.s32 s2, s7;
	s0 =	sadd.s32 s0, s3  }
0xd: {  	s8 =	sor.u32 $0x50, s6;
	s9 =	sor.u32 $0xA0, s6;
	s10 =	sor.u32 $0xF0, s6  }
0xe: {  	s26 =	smax.u32 s2, $0x1;
	s2 =	simm.s32 $0x9;
	[dreg:$0x5] =	wrdreg s0  }
0xf: {  	s3 =	simm.s32 $0x0;
	[dreg:$0x6] =	wrdreg s26;
	s26 =	simm.s32 $0x3  }
.LBB2_32:
0x10: {  	s7 =	simm.s32 $0xA  }
0x11: {  	_ =	swait.ge [sflag:s7], $0x2800  }
0x12: {  	s3 =	sadd.s32 $0x1, s3;
	s0 =	rddreg [dreg:$0x6]  }
0x13: {  	p0 =	sne.s32 s3, s0  }
.Ltmp1:
0x14: {  	_ = 	snop;
	(pc) =	sbr.rel @!p0 .LBB2_33-.Ltmp1, $3  }
0x15: {  	_ =	sdelay $0x1  }
0x16: {  	[sflag:s7] =	ssyncset.done $0x0  }
0x17: {  	[sflag:s7] =	ssyncadd.s32 $0xFFFFD800  }
.LBB2_1:
0x18: {  	s0 =	rddreg [dreg:$0x5]  }
0x19: {  	[tilespmem:s5], [sflag:$0xB] =	stream.linear.gather [hbm4b:s0+s5], $0x2800, $0x38;
	[tilespmem:$0x15400] =	vst v63  }
0x1a: {  	_ =	swait.ge [sflag:s12], $0x2800  }
0x1b: {  	[sflag:s12] =	ssyncset.done $0x0  }
0x1c: {  	[sflag:s12] =	ssyncadd.s32 $0xFFFFD800  }
0x1d: {  	s7 =	simm.s32 $0x2800;
	s20 =	rddreg [dreg:$0x2]  }
0x1e: {  	[tilespmem:s7], [sflag:$0xB] =	stream.linear.gather [hbm4b:s20+s5], $0x6400, $0x38;
	[tilespmem:$0x15400] =	vst v63  }
0x1f: {  	_ =	swait.ge [sflag:s12], $0x6400  }
0x20: {  	[sflag:s12] =	ssyncset.done $0x0  }
0x21: {  	s13 =	simm.s32 $0x0;
	[sflag:s12] =	ssyncadd.s32 $0xFFFF9C00  }
0x22: {  	v3 =	vld [tilespmem:s13+$0x2870]  }
0x23: {  	v4 =	vld [tilespmem:s13+$0x2800]  }
0x24: {  	v5 =	vld [tilespmem:s13+$0x2810]  }
0x25: {  	v2 =	vld [tilespmem:s13+$0x2820]  }
0x26: {  	v0 =	vld [tilespmem:s13+$0x2830]  }
0x27: {  	v1 =	vld [tilespmem:s13+$0x2840];
	[tilespmem:s13+$0x8C70] =	vst v3  }
0x28: {  	[tilespmem:s13+$0x8C00] =	vst v4;
	v3 =	vld [tilespmem:s13+$0x2850]  }
0x29: {  	s0 =	simm.s32 $0x400;
	s7 =	simm.s32 $0x80;
	[tilespmem:s13+$0x8C10] =	vst v5;
	v4 =	vld [tilespmem:s13+$0x2860]  }
.LBB2_2:
0x2a: {  	p0 =	sne.s32 s0, $0x9E00;
	v5 =	vld [tilespmem:s7+$0x2870];
	[tilespmem:s13+$0x8C20] =	vst v2  }
0x2b: {  	v6 =	vld [tilespmem:s7+$0x2800];
	[tilespmem:s13+$0x8C30] =	vst v0  }
0x2c: {  	v7 =	vld [tilespmem:s7+$0x2810];
	[tilespmem:s13+$0x8C40] =	vst v1  }
.Ltmp2:
0x2d: {  	v2 =	vld [tilespmem:s7+$0x2820];
	[tilespmem:s13+$0x8C50] =	vst v3;
	(pc) =	sbr.rel @p0 .LBB2_2-.Ltmp2, $4  }
0x2e: {  	v0 =	vld [tilespmem:s7+$0x2830];
	[tilespmem:s13+$0x8C60] =	vst v4;
	s13 =	smov.u32 s7  }
0x2f: {  	v1 =	vld [tilespmem:s13+$0x2840];
	[tilespmem:s13+$0x8C70] =	vst v5  }
0x30: {  	[tilespmem:s13+$0x8C00] =	vst v6;
	v3 =	vld [tilespmem:s13+$0x2850]  }
0x31: {  	s7 =	sshra.s32 s0, $0x2;
	s0 =	sadd.s32 $0x200, s0;
	[tilespmem:s13+$0x8C10] =	vst v7;
	v4 =	vld [tilespmem:s13+$0x2860]  }
0x32: {  	v5 =	vld [tilespmem:s7+$0x2870];
	[tilespmem:s13+$0x8C20] =	vst v2  }
0x33: {  	v2 =	vld [tilespmem:s7+$0x2800];
	[tilespmem:s13+$0x8C30] =	vst v0  }
0x34: {  	v0 =	vld [tilespmem:s7+$0x2810];
	[tilespmem:s13+$0x8C40] =	vst v1  }
0x35: {  	v1 =	vld [tilespmem:s7+$0x2820];
	[tilespmem:s13+$0x8C50] =	vst v3  }
0x36: {  	v3 =	vld [tilespmem:s7+$0x2830];
	[tilespmem:s13+$0x8C60] =	vst v4  }
0x37: {  	v4 =	vld [tilespmem:s7+$0x2840];
	[tilespmem:s7+$0x8C70] =	vst v5  }
0x38: {  	[tilespmem:s7+$0x8C00] =	vst v2;
	v2 =	vld [tilespmem:s7+$0x2850]  }
0x39: {  	[tilespmem:s7+$0x8C10] =	vst v0;
	v0 =	vld [tilespmem:s7+$0x2860]  }
0x3a: {  	[tilespmem:s7+$0x8C20] =	vst v1  }
0x3b: {  	[tilespmem:s7+$0x8C30] =	vst v3  }
0x3c: {  	[tilespmem:s7+$0x8C40] =	vst v4  }
0x3d: {  	[tilespmem:s7+$0x8C50] =	vst v2  }
0x3e: {  	s0 =	simm.s32 $0x0;
	s13 =	simm.s32 $0x0;
	[tilespmem:s7+$0x8C60] =	vst v0  }
0x3f: {  	[tilespmem:s15], [sflag:$0x1] =	stream.indirect.gather.add.f32 [hbm:s1], $0x80, s0, s14, $0xb8;
	[tilespmem:$0x15400] =	vst v63  }
0x40: {  	v3 =	vld [tilespmem:s13+$0x5070]  }
0x41: {  	v4 =	vld [tilespmem:s13+$0x5000]  }
0x42: {  	v5 =	vld [tilespmem:s13+$0x5010]  }
0x43: {  	v2 =	vld [tilespmem:s13+$0x5020]  }
0x44: {  	v0 =	vld [tilespmem:s13+$0x5030]  }
0x45: {  	v1 =	vld [tilespmem:s13+$0x5040];
	[tilespmem:s13+$0xB470] =	vst v3  }
0x46: {  	[tilespmem:s13+$0xB400] =	vst v4;
	v3 =	vld [tilespmem:s13+$0x5050]  }
0x47: {  	s7 =	simm.s32 $0x80;
	s0 =	simm.s32 $0x400;
	[tilespmem:s13+$0xB410] =	vst v5;
	v4 =	vld [tilespmem:s13+$0x5060]  }
.LBB2_4:
0x48: {  	p0 =	sne.s32 s0, $0x9E00;
	v5 =	vld [tilespmem:s7+$0x5070];
	[tilespmem:s13+$0xB420] =	vst v2  }
0x49: {  	v6 =	vld [tilespmem:s7+$0x5000];
	[tilespmem:s13+$0xB430] =	vst v0  }
0x4a: {  	v7 =	vld [tilespmem:s7+$0x5010];
	[tilespmem:s13+$0xB440] =	vst v1  }
.Ltmp3:
0x4b: {  	v2 =	vld [tilespmem:s7+$0x5020];
	[tilespmem:s13+$0xB450] =	vst v3;
	(pc) =	sbr.rel @p0 .LBB2_4-.Ltmp3, $4  }
0x4c: {  	v0 =	vld [tilespmem:s7+$0x5030];
	[tilespmem:s13+$0xB460] =	vst v4;
	s13 =	smov.u32 s7  }
0x4d: {  	v1 =	vld [tilespmem:s13+$0x5040];
	[tilespmem:s13+$0xB470] =	vst v5  }
0x4e: {  	[tilespmem:s13+$0xB400] =	vst v6;
	v3 =	vld [tilespmem:s13+$0x5050]  }
0x4f: {  	s7 =	sshra.s32 s0, $0x2;
	s0 =	sadd.s32 $0x200, s0;
	[tilespmem:s13+$0xB410] =	vst v7;
	v4 =	vld [tilespmem:s13+$0x5060]  }
0x50: {  	v5 =	vld [tilespmem:s7+$0x5070];
	[tilespmem:s13+$0xB420] =	vst v2  }
0x51: {  	v2 =	vld [tilespmem:s7+$0x5000];
	[tilespmem:s13+$0xB430] =	vst v0  }
0x52: {  	v0 =	vld [tilespmem:s7+$0x5010];
	[tilespmem:s13+$0xB440] =	vst v1  }
0x53: {  	v1 =	vld [tilespmem:s7+$0x5020];
	[tilespmem:s13+$0xB450] =	vst v3  }
0x54: {  	v3 =	vld [tilespmem:s7+$0x5030];
	[tilespmem:s13+$0xB460] =	vst v4  }
0x55: {  	v4 =	vld [tilespmem:s7+$0x5040];
	[tilespmem:s7+$0xB470] =	vst v5  }
0x56: {  	[tilespmem:s7+$0xB400] =	vst v2;
	v2 =	vld [tilespmem:s7+$0x5050]  }
0x57: {  	[tilespmem:s7+$0xB410] =	vst v0;
	v0 =	vld [tilespmem:s7+$0x5060]  }
0x58: {  	[tilespmem:s7+$0xB420] =	vst v1  }
0x59: {  	[tilespmem:s7+$0xB430] =	vst v3  }
0x5a: {  	[tilespmem:s7+$0xB440] =	vst v4  }
0x5b: {  	[tilespmem:s7+$0xB450] =	vst v2  }
0x5c: {  	s0 =	simm.s32 $0x80;
	s13 =	simm.s32 $0x0;
	[tilespmem:s7+$0xB460] =	vst v0  }
0x5d: {  	[tilespmem:s17], [sflag:$0x2] =	stream.indirect.gather.add.f32 [hbm:s1], $0x80, s0, s14, $0xb8;
	[tilespmem:$0x15400] =	vst v63  }
0x5e: {  	v3 =	vld [tilespmem:s13+$0x7870]  }
0x5f: {  	v4 =	vld [tilespmem:s13+$0x7800]  }
0x60: {  	v5 =	vld [tilespmem:s13+$0x7810]  }
0x61: {  	v2 =	vld [tilespmem:s13+$0x7820]  }
0x62: {  	v0 =	vld [tilespmem:s13+$0x7830]  }
0x63: {  	v1 =	vld [tilespmem:s13+$0x7840];
	[tilespmem:s13+$0xDC70] =	vst v3  }
0x64: {  	[tilespmem:s13+$0xDC00] =	vst v4;
	v3 =	vld [tilespmem:s13+$0x7850]  }
0x65: {  	s16 =	simm.s32 $0x400;
	s11 =	simm.s32 $0x0;
	s7 =	simm.s32 $0x80;
	[tilespmem:s13+$0xDC10] =	vst v5;
	v4 =	vld [tilespmem:s13+$0x7860]  }
.LBB2_6:
0x66: {  	p0 =	sne.s32 s16, $0x4E00;
	v5 =	vld [tilespmem:s7+$0x7870];
	[tilespmem:s11+$0xDC20] =	vst v2  }
0x67: {  	v6 =	vld [tilespmem:s7+$0x7800];
	[tilespmem:s11+$0xDC30] =	vst v0  }
0x68: {  	v7 =	vld [tilespmem:s7+$0x7810];
	[tilespmem:s11+$0xDC40] =	vst v1  }
.Ltmp4:
0x69: {  	v2 =	vld [tilespmem:s7+$0x7820];
	[tilespmem:s11+$0xDC50] =	vst v3;
	(pc) =	sbr.rel @p0 .LBB2_6-.Ltmp4, $4  }
0x6a: {  	v0 =	vld [tilespmem:s7+$0x7830];
	[tilespmem:s11+$0xDC60] =	vst v4;
	s11 =	smov.u32 s7  }
0x6b: {  	v1 =	vld [tilespmem:s11+$0x7840];
	[tilespmem:s11+$0xDC70] =	vst v5  }
0x6c: {  	[tilespmem:s11+$0xDC00] =	vst v6;
	v3 =	vld [tilespmem:s11+$0x7850]  }
0x6d: {  	s7 =	sshra.s32 s16, $0x2;
	s16 =	sadd.s32 $0x200, s16;
	[tilespmem:s11+$0xDC10] =	vst v7;
	v4 =	vld [tilespmem:s11+$0x7860]  }
0x6e: {  	v5 =	vld [tilespmem:s7+$0x7870];
	[tilespmem:s11+$0xDC20] =	vst v2  }
0x6f: {  	v2 =	vld [tilespmem:s7+$0x7800];
	[tilespmem:s11+$0xDC30] =	vst v0  }
0x70: {  	v0 =	vld [tilespmem:s7+$0x7810];
	[tilespmem:s11+$0xDC40] =	vst v1  }
0x71: {  	v1 =	vld [tilespmem:s7+$0x7820];
	[tilespmem:s11+$0xDC50] =	vst v3  }
0x72: {  	v3 =	vld [tilespmem:s7+$0x7830];
	[tilespmem:s11+$0xDC60] =	vst v4  }
0x73: {  	v4 =	vld [tilespmem:s7+$0x7840];
	[tilespmem:s7+$0xDC70] =	vst v5  }
0x74: {  	[tilespmem:s7+$0xDC00] =	vst v2;
	v2 =	vld [tilespmem:s7+$0x7850]  }
0x75: {  	[tilespmem:s7+$0xDC10] =	vst v0;
	v0 =	vld [tilespmem:s7+$0x7860]  }
0x76: {  	[tilespmem:s7+$0xDC20] =	vst v1  }
0x77: {  	[tilespmem:s7+$0xDC30] =	vst v3  }
0x78: {  	[tilespmem:s7+$0xDC40] =	vst v4  }
0x79: {  	[tilespmem:s7+$0xDC50] =	vst v2  }
0x7a: {  	[tilespmem:s7+$0xDC60] =	vst v0  }
0x7b: {  	v3 =	vld [tilespmem:s13+$0x2870]  }
0x7c: {  	v4 =	vld [tilespmem:s13+$0x2800]  }
0x7d: {  	v5 =	vld [tilespmem:s13+$0x2810]  }
0x7e: {  	v2 =	vld [tilespmem:s13+$0x2820]  }
0x7f: {  	v0 =	vld [tilespmem:s13+$0x2830]  }
0x80: {  	v1 =	vld [tilespmem:s13+$0x2840];
	[tilespmem:s13+$0xF070] =	vst v3  }
0x81: {  	[tilespmem:s13+$0xF000] =	vst v4;
	v3 =	vld [tilespmem:s13+$0x2850]  }
0x82: {  	s0 =	simm.s32 $0x400;
	s7 =	simm.s32 $0x80;
	[tilespmem:s13+$0xF010] =	vst v5;
	v4 =	vld [tilespmem:s13+$0x2860]  }
.LBB2_8:
0x83: {  	p0 =	sne.s32 s0, $0x4E00;
	v5 =	vld [tilespmem:s7+$0x2870];
	[tilespmem:s13+$0xF020] =	vst v2  }
0x84: {  	v6 =	vld [tilespmem:s7+$0x2800];
	[tilespmem:s13+$0xF030] =	vst v0  }
0x85: {  	v7 =	vld [tilespmem:s7+$0x2810];
	[tilespmem:s13+$0xF040] =	vst v1  }
.Ltmp5:
0x86: {  	v2 =	vld [tilespmem:s7+$0x2820];
	[tilespmem:s13+$0xF050] =	vst v3;
	(pc) =	sbr.rel @p0 .LBB2_8-.Ltmp5, $4  }
0x87: {  	v0 =	vld [tilespmem:s7+$0x2830];
	[tilespmem:s13+$0xF060] =	vst v4;
	s13 =	smov.u32 s7  }
0x88: {  	v1 =	vld [tilespmem:s13+$0x2840];
	[tilespmem:s13+$0xF070] =	vst v5  }
0x89: {  	[tilespmem:s13+$0xF000] =	vst v6;
	v3 =	vld [tilespmem:s13+$0x2850]  }
0x8a: {  	s7 =	sshra.s32 s0, $0x2;
	s0 =	sadd.s32 $0x200, s0;
	[tilespmem:s13+$0xF010] =	vst v7;
	v4 =	vld [tilespmem:s13+$0x2860]  }
0x8b: {  	v5 =	vld [tilespmem:s7+$0x2870];
	[tilespmem:s13+$0xF020] =	vst v2  }
0x8c: {  	v2 =	vld [tilespmem:s7+$0x2800];
	[tilespmem:s13+$0xF030] =	vst v0  }
0x8d: {  	v0 =	vld [tilespmem:s7+$0x2810];
	[tilespmem:s13+$0xF040] =	vst v1  }
0x8e: {  	v1 =	vld [tilespmem:s7+$0x2820];
	[tilespmem:s13+$0xF050] =	vst v3  }
0x8f: {  	v3 =	vld [tilespmem:s7+$0x2830];
	[tilespmem:s13+$0xF060] =	vst v4  }
0x90: {  	v4 =	vld [tilespmem:s7+$0x2840];
	[tilespmem:s7+$0xF070] =	vst v5  }
0x91: {  	[tilespmem:s7+$0xF000] =	vst v2;
	v2 =	vld [tilespmem:s7+$0x2850]  }
0x92: {  	[tilespmem:s7+$0xF010] =	vst v0;
	v0 =	vld [tilespmem:s7+$0x2860]  }
0x93: {  	[tilespmem:s7+$0xF020] =	vst v1  }
0x94: {  	[tilespmem:s7+$0xF030] =	vst v3  }
0x95: {  	[tilespmem:s7+$0xF040] =	vst v4  }
0x96: {  	[tilespmem:s7+$0xF050] =	vst v2  }
0x97: {  	s0 =	simm.s32 $0x100;
	s13 =	simm.s32 $0x0;
	[tilespmem:s7+$0xF060] =	vst v0  }
0x98: {  	[tilespmem:s19], [sflag:$0x3] =	stream.indirect.gather.add.f32 [hbm:s1], $0x80, s0, s14, $0xb8;
	[tilespmem:$0x15400] =	vst v63  }
0x99: {  	v3 =	vld [tilespmem:s13+$0x3C70]  }
0x9a: {  	v4 =	vld [tilespmem:s13+$0x3C00]  }
0x9b: {  	v5 =	vld [tilespmem:s13+$0x3C10]  }
0x9c: {  	v2 =	vld [tilespmem:s13+$0x3C20]  }
0x9d: {  	v0 =	vld [tilespmem:s13+$0x3C30]  }
0x9e: {  	v1 =	vld [tilespmem:s13+$0x3C40];
	[tilespmem:s13+$0x10470] =	vst v3  }
0x9f: {  	[tilespmem:s13+$0x10400] =	vst v4;
	v3 =	vld [tilespmem:s13+$0x3C50]  }
0xa0: {  	s7 =	simm.s32 $0x80;
	s0 =	simm.s32 $0x400;
	[tilespmem:s13+$0x10410] =	vst v5;
	v4 =	vld [tilespmem:s13+$0x3C60]  }
.LBB2_10:
0xa1: {  	p0 =	sne.s32 s0, $0x9E00;
	v5 =	vld [tilespmem:s7+$0x3C70];
	[tilespmem:s13+$0x10420] =	vst v2  }
0xa2: {  	v6 =	vld [tilespmem:s7+$0x3C00];
	[tilespmem:s13+$0x10430] =	vst v0  }
0xa3: {  	v7 =	vld [tilespmem:s7+$0x3C10];
	[tilespmem:s13+$0x10440] =	vst v1  }
.Ltmp6:
0xa4: {  	v2 =	vld [tilespmem:s7+$0x3C20];
	[tilespmem:s13+$0x10450] =	vst v3;
	(pc) =	sbr.rel @p0 .LBB2_10-.Ltmp6, $4  }
0xa5: {  	v0 =	vld [tilespmem:s7+$0x3C30];
	[tilespmem:s13+$0x10460] =	vst v4;
	s13 =	smov.u32 s7  }
0xa6: {  	v1 =	vld [tilespmem:s13+$0x3C40];
	[tilespmem:s13+$0x10470] =	vst v5  }
0xa7: {  	[tilespmem:s13+$0x10400] =	vst v6;
	v3 =	vld [tilespmem:s13+$0x3C50]  }
0xa8: {  	s7 =	sshra.s32 s0, $0x2;
	s0 =	sadd.s32 $0x200, s0;
	[tilespmem:s13+$0x10410] =	vst v7;
	v4 =	vld [tilespmem:s13+$0x3C60]  }
0xa9: {  	v5 =	vld [tilespmem:s7+$0x3C70];
	[tilespmem:s13+$0x10420] =	vst v2  }
0xaa: {  	v2 =	vld [tilespmem:s7+$0x3C00];
	[tilespmem:s13+$0x10430] =	vst v0  }
0xab: {  	v0 =	vld [tilespmem:s7+$0x3C10];
	[tilespmem:s13+$0x10440] =	vst v1  }
0xac: {  	v1 =	vld [tilespmem:s7+$0x3C20];
	[tilespmem:s13+$0x10450] =	vst v3  }
0xad: {  	v3 =	vld [tilespmem:s7+$0x3C30];
	[tilespmem:s13+$0x10460] =	vst v4  }
0xae: {  	v4 =	vld [tilespmem:s7+$0x3C40];
	[tilespmem:s7+$0x10470] =	vst v5  }
0xaf: {  	v62 =	vld [tilespmem:s7+$0x3C50];
	[tilespmem:s7+$0x10400] =	vst v2  }
0xb0: {  	v63 =	vld [tilespmem:s7+$0x3C60];
	[tilespmem:s7+$0x10410] =	vst v0  }
0xb1: {  	[tilespmem:s7+$0x10420] =	vst v1  }
0xb2: {  	[tilespmem:s7+$0x10430] =	vst v3  }
0xb3: {  	[tilespmem:s7+$0x10440] =	vst v4  }
0xb4: {  	[tilespmem:s7+$0x10450] =	vst v62  }
0xb5: {  	s0 =	simm.s32 $0x180;
	s13 =	simm.s32 $0x0;
	[tilespmem:s7+$0x10460] =	vst v63  }
0xb6: {  	[tilespmem:s21], [sflag:$0x4] =	stream.indirect.gather.add.f32 [hbm:s1], $0x80, s0, s14, $0xb8;
	[tilespmem:$0x15400] =	vst v63  }
.LBB2_12:
0xb7: {  	s18 =	smul.u32 $0x190, s13;
	_ =	sdelay $0x1  }
0xb8: {  	_ =	swait.ge [sflag:s22], $0x2800;
	s0 =	sadd.s32 s6, s18  }
0xb9: {  	[sflag:s22] =	ssyncset.done $0x0;
	s0 =	sshll.u32 s0, $0x4  }
0xba: {  	p0 =	seq.s32 s13, $0x0;
	[sflag:s22] =	ssyncadd.s32 $0xFFFFD800;
	s0 =	sadd.s32 s4, s0  }
0xbb: {  	[hbm4b:s0+s5] =	stream.linear.scatter [tilespmem:s15], [sflag:$0x6], $0x2800, $0x38;
	[tilespmem:$0x15400] =	vst v63  }
0xbc: {  	s0 =	simm.s32 @!p0 $0xA  }
0xbd: {  	_ =	swait.ge @!p0 [sflag:s0], $0x2800  }
0xbe: {  	[sflag:s0] =	ssyncset.done @!p0 $0x0  }
0xbf: {  	s20 =	simm.s32 $0x0;
	[sflag:s0] =	ssyncadd.s32 @!p0 $0xFFFFD800  }
0xc0: {  	v3 =	vld [tilespmem:s20+$0x6470]  }
0xc1: {  	v4 =	vld [tilespmem:s20+$0x6400]  }
0xc2: {  	v5 =	vld [tilespmem:s20+$0x6410]  }
0xc3: {  	v2 =	vld [tilespmem:s20+$0x6420]  }
0xc4: {  	v0 =	vld [tilespmem:s20+$0x6430]  }
0xc5: {  	s16 =	smul.u32 $0x5, s13;
	v1 =	vld [tilespmem:s20+$0x6440];
	[tilespmem:s20+$0x12C70] =	vst v3  }
0xc6: {  	[tilespmem:s20+$0x12C00] =	vst v4;
	v3 =	vld [tilespmem:s20+$0x6450]  }
0xc7: {  	s7 =	simm.s32 $0x80;
	s16 =	sadd.s32 $0x4, s16;
	s0 =	simm.s32 $0x400;
	[tilespmem:s20+$0x12C10] =	vst v5;
	v4 =	vld [tilespmem:s20+$0x6460]  }
.LBB2_13:
0xc8: {  	p0 =	sne.s32 s0, $0x9E00;
	v5 =	vld [tilespmem:s7+$0x6470];
	[tilespmem:s20+$0x12C20] =	vst v2  }
0xc9: {  	v6 =	vld [tilespmem:s7+$0x6400];
	[tilespmem:s20+$0x12C30] =	vst v0  }
0xca: {  	v7 =	vld [tilespmem:s7+$0x6410];
	[tilespmem:s20+$0x12C40] =	vst v1  }
.Ltmp7:
0xcb: {  	v2 =	vld [tilespmem:s7+$0x6420];
	[tilespmem:s20+$0x12C50] =	vst v3;
	(pc) =	sbr.rel @p0 .LBB2_13-.Ltmp7, $4  }
0xcc: {  	v0 =	vld [tilespmem:s7+$0x6430];
	[tilespmem:s20+$0x12C60] =	vst v4;
	s20 =	smov.u32 s7  }
0xcd: {  	v1 =	vld [tilespmem:s20+$0x6440];
	[tilespmem:s20+$0x12C70] =	vst v5  }
0xce: {  	[tilespmem:s20+$0x12C00] =	vst v6;
	v3 =	vld [tilespmem:s20+$0x6450]  }
0xcf: {  	s7 =	sshra.s32 s0, $0x2;
	s0 =	sadd.s32 $0x200, s0;
	[tilespmem:s20+$0x12C10] =	vst v7;
	v4 =	vld [tilespmem:s20+$0x6460]  }
0xd0: {  	v5 =	vld [tilespmem:s7+$0x6470];
	[tilespmem:s20+$0x12C20] =	vst v2  }
0xd1: {  	v2 =	vld [tilespmem:s7+$0x6400];
	[tilespmem:s20+$0x12C30] =	vst v0  }
0xd2: {  	v0 =	vld [tilespmem:s7+$0x6410];
	[tilespmem:s20+$0x12C40] =	vst v1  }
0xd3: {  	v1 =	vld [tilespmem:s7+$0x6420];
	[tilespmem:s20+$0x12C50] =	vst v3  }
0xd4: {  	v3 =	vld [tilespmem:s7+$0x6430];
	[tilespmem:s20+$0x12C60] =	vst v4  }
0xd5: {  	v4 =	vld [tilespmem:s7+$0x6440];
	[tilespmem:s7+$0x12C70] =	vst v5  }
0xd6: {  	v62 =	vld [tilespmem:s7+$0x6450];
	[tilespmem:s7+$0x12C00] =	vst v2  }
0xd7: {  	v63 =	vld [tilespmem:s7+$0x6460];
	[tilespmem:s7+$0x12C10] =	vst v0  }
0xd8: {  	[tilespmem:s7+$0x12C20] =	vst v1  }
0xd9: {  	[tilespmem:s7+$0x12C30] =	vst v3  }
0xda: {  	[tilespmem:s7+$0x12C40] =	vst v4  }
0xdb: {  	s0 =	sshll.u32 s16, $0x7;
	[tilespmem:s7+$0x12C50] =	vst v62  }
0xdc: {  	s0 =	sand.u32 $0x3FFFFF80, s0;
	[tilespmem:s7+$0x12C60] =	vst v63  }
0xdd: {  	[tilespmem:s23], [sflag:$0x5] =	stream.indirect.gather.add.f32 [hbm:s1], $0x80, s0, s14, $0xb8;
	[tilespmem:$0x15400] =	vst v63  }
0xde: {  	p0 =	seq.s32 s13, $0xF;
	s20 =	sadd.s32 s18, s8;
	_ =	swait.ge [sflag:s24], $0x2800  }
0xdf: {  	s0 =	sshll.u32 s20, $0x4;
	s20 =	simm.s32 $0x0;
	[sflag:s24] =	ssyncset.done $0x0  }
.Ltmp8:
0xe0: {  	s0 =	sadd.s32 s4, s0;
	[sflag:s24] =	ssyncadd.s32 $0xFFFFD800;
	(pc) =	sbr.rel @p0 .LBB2_18-.Ltmp8, $4  }
0xe1: {  	[hbm4b:s0+s20] =	stream.linear.scatter [tilespmem:s17], [sflag:$0x7], $0x2800, $0x38;
	[tilespmem:$0x15400] =	vst v63  }
0xe2: {  	_ =	swait.ge [sflag:s25], $0x2800  }
0xe3: {  	[sflag:s25] =	ssyncset.done $0x0  }
0xe4: {  	[sflag:s25] =	ssyncadd.s32 $0xFFFFD800  }
0xe5: {  	s7 =	simm.s32 $0x0  }
0xe6: {  	v3 =	vld [tilespmem:s7+$0x2870]  }
0xe7: {  	v4 =	vld [tilespmem:s7+$0x2800]  }
0xe8: {  	v5 =	vld [tilespmem:s7+$0x2810]  }
0xe9: {  	v2 =	vld [tilespmem:s7+$0x2820]  }
0xea: {  	v0 =	vld [tilespmem:s7+$0x2830]  }
0xeb: {  	v1 =	vld [tilespmem:s7+$0x2840];
	[tilespmem:s7+$0x8C70] =	vst v3  }
0xec: {  	[tilespmem:s7+$0x8C00] =	vst v4;
	v3 =	vld [tilespmem:s7+$0x2850]  }
0xed: {  	s11 =	simm.s32 $0x80;
	s0 =	simm.s32 $0x400;
	[tilespmem:s7+$0x8C10] =	vst v5;
	v4 =	vld [tilespmem:s7+$0x2860]  }
.LBB2_16:
0xee: {  	p1 =	sne.s32 s0, $0x9E00;
	v5 =	vld [tilespmem:s11+$0x2870];
	[tilespmem:s7+$0x8C20] =	vst v2  }
0xef: {  	v6 =	vld [tilespmem:s11+$0x2800];
	[tilespmem:s7+$0x8C30] =	vst v0  }
0xf0: {  	v7 =	vld [tilespmem:s11+$0x2810];
	[tilespmem:s7+$0x8C40] =	vst v1  }
.Ltmp9:
0xf1: {  	v2 =	vld [tilespmem:s11+$0x2820];
	[tilespmem:s7+$0x8C50] =	vst v3;
	(pc) =	sbr.rel @p1 .LBB2_16-.Ltmp9, $4  }
0xf2: {  	v0 =	vld [tilespmem:s11+$0x2830];
	[tilespmem:s7+$0x8C60] =	vst v4;
	s7 =	smov.u32 s11  }
0xf3: {  	v1 =	vld [tilespmem:s7+$0x2840];
	[tilespmem:s7+$0x8C70] =	vst v5  }
0xf4: {  	[tilespmem:s7+$0x8C00] =	vst v6;
	v3 =	vld [tilespmem:s7+$0x2850]  }
0xf5: {  	s11 =	sshra.s32 s0, $0x2;
	s0 =	sadd.s32 $0x200, s0;
	[tilespmem:s7+$0x8C10] =	vst v7;
	v4 =	vld [tilespmem:s7+$0x2860]  }
0xf6: {  	v5 =	vld [tilespmem:s11+$0x2870];
	[tilespmem:s7+$0x8C20] =	vst v2  }
0xf7: {  	v2 =	vld [tilespmem:s11+$0x2800];
	[tilespmem:s7+$0x8C30] =	vst v0  }
0xf8: {  	v0 =	vld [tilespmem:s11+$0x2810];
	[tilespmem:s7+$0x8C40] =	vst v1  }
0xf9: {  	v1 =	vld [tilespmem:s11+$0x2820];
	[tilespmem:s7+$0x8C50] =	vst v3  }
0xfa: {  	v3 =	vld [tilespmem:s11+$0x2830];
	[tilespmem:s7+$0x8C60] =	vst v4  }
0xfb: {  	v4 =	vld [tilespmem:s11+$0x2840];
	[tilespmem:s11+$0x8C70] =	vst v5  }
0xfc: {  	v62 =	vld [tilespmem:s11+$0x2850];
	[tilespmem:s11+$0x8C00] =	vst v2  }
0xfd: {  	v63 =	vld [tilespmem:s11+$0x2860];
	[tilespmem:s11+$0x8C10] =	vst v0  }
0xfe: {  	[tilespmem:s11+$0x8C20] =	vst v1  }
0xff: {  	s0 =	smul.u32 $0xA00, s13;
	[tilespmem:s11+$0x8C30] =	vst v3  }
0x100: {  	[tilespmem:s11+$0x8C40] =	vst v4  }
0x101: {  	s0 =	sshra.s32 s0, $0x2;
	[tilespmem:s11+$0x8C50] =	vst v62  }
0x102: {  	s0 =	sadd.s32 $0x280, s0;
	[tilespmem:s11+$0x8C60] =	vst v63  }
0x103: {  	[tilespmem:s15], [sflag:$0x1] =	stream.indirect.gather.add.f32 [hbm:s1], $0x80, s0, s14, $0xb8;
	[tilespmem:$0x15400] =	vst v63  }
.LBB2_18:
0x104: {  	_ =	swait.ge [sflag:s26], $0x2800;
	s0 =	sadd.s32 s18, s9  }
0x105: {  	[sflag:s26] =	ssyncset.done $0x0;
	s0 =	sshll.u32 s0, $0x4  }
.Ltmp10:
0x106: {  	[sflag:s26] =	ssyncadd.s32 $0xFFFFD800;
	s0 =	sadd.s32 s4, s0;
	(pc) =	sbr.rel @p0 .LBB2_22-.Ltmp10, $4  }
0x107: {  	[hbm4b:s0+s20] =	stream.linear.scatter [tilespmem:s19], [sflag:$0x8], $0x2800, $0x38;
	[tilespmem:$0x15400] =	vst v63  }
0x108: {  	_ =	swait.ge [sflag:s28], $0x2800  }
0x109: {  	[sflag:s28] =	ssyncset.done $0x0  }
0x10a: {  	[sflag:s28] =	ssyncadd.s32 $0xFFFFD800  }
0x10b: {  	s7 =	simm.s32 $0x0  }
0x10c: {  	v3 =	vld [tilespmem:s7+$0x5070]  }
0x10d: {  	v4 =	vld [tilespmem:s7+$0x5000]  }
0x10e: {  	v5 =	vld [tilespmem:s7+$0x5010]  }
0x10f: {  	v2 =	vld [tilespmem:s7+$0x5020]  }
0x110: {  	v0 =	vld [tilespmem:s7+$0x5030]  }
0x111: {  	v1 =	vld [tilespmem:s7+$0x5040];
	[tilespmem:s7+$0xB470] =	vst v3  }
0x112: {  	[tilespmem:s7+$0xB400] =	vst v4;
	v3 =	vld [tilespmem:s7+$0x5050]  }
0x113: {  	s11 =	simm.s32 $0x80;
	s0 =	simm.s32 $0x400;
	[tilespmem:s7+$0xB410] =	vst v5;
	v4 =	vld [tilespmem:s7+$0x5060]  }
.LBB2_20:
0x114: {  	p1 =	sne.s32 s0, $0x9E00;
	v5 =	vld [tilespmem:s11+$0x5070];
	[tilespmem:s7+$0xB420] =	vst v2  }
0x115: {  	v6 =	vld [tilespmem:s11+$0x5000];
	[tilespmem:s7+$0xB430] =	vst v0  }
0x116: {  	v7 =	vld [tilespmem:s11+$0x5010];
	[tilespmem:s7+$0xB440] =	vst v1  }
.Ltmp11:
0x117: {  	v2 =	vld [tilespmem:s11+$0x5020];
	[tilespmem:s7+$0xB450] =	vst v3;
	(pc) =	sbr.rel @p1 .LBB2_20-.Ltmp11, $4  }
0x118: {  	v0 =	vld [tilespmem:s11+$0x5030];
	[tilespmem:s7+$0xB460] =	vst v4;
	s7 =	smov.u32 s11  }
0x119: {  	v1 =	vld [tilespmem:s7+$0x5040];
	[tilespmem:s7+$0xB470] =	vst v5  }
0x11a: {  	[tilespmem:s7+$0xB400] =	vst v6;
	v3 =	vld [tilespmem:s7+$0x5050]  }
0x11b: {  	s11 =	sshra.s32 s0, $0x2;
	s0 =	sadd.s32 $0x200, s0;
	[tilespmem:s7+$0xB410] =	vst v7;
	v4 =	vld [tilespmem:s7+$0x5060]  }
0x11c: {  	v5 =	vld [tilespmem:s11+$0x5070];
	[tilespmem:s7+$0xB420] =	vst v2  }
0x11d: {  	v2 =	vld [tilespmem:s11+$0x5000];
	[tilespmem:s7+$0xB430] =	vst v0  }
0x11e: {  	v0 =	vld [tilespmem:s11+$0x5010];
	[tilespmem:s7+$0xB440] =	vst v1  }
0x11f: {  	v1 =	vld [tilespmem:s11+$0x5020];
	[tilespmem:s7+$0xB450] =	vst v3  }
0x120: {  	v3 =	vld [tilespmem:s11+$0x5030];
	[tilespmem:s7+$0xB460] =	vst v4  }
0x121: {  	v4 =	vld [tilespmem:s11+$0x5040];
	[tilespmem:s11+$0xB470] =	vst v5  }
0x122: {  	v62 =	vld [tilespmem:s11+$0x5050];
	[tilespmem:s11+$0xB400] =	vst v2  }
0x123: {  	v63 =	vld [tilespmem:s11+$0x5060];
	[tilespmem:s11+$0xB410] =	vst v0  }
0x124: {  	[tilespmem:s11+$0xB420] =	vst v1  }
0x125: {  	s0 =	smul.u32 $0xA00, s13;
	[tilespmem:s11+$0xB430] =	vst v3  }
0x126: {  	[tilespmem:s11+$0xB440] =	vst v4  }
0x127: {  	s0 =	sshra.s32 s0, $0x2;
	[tilespmem:s11+$0xB450] =	vst v62  }
0x128: {  	s0 =	sadd.s32 $0x300, s0;
	[tilespmem:s11+$0xB460] =	vst v63  }
0x129: {  	[tilespmem:s17], [sflag:$0x2] =	stream.indirect.gather.add.f32 [hbm:s1], $0x80, s0, s14, $0xb8;
	[tilespmem:$0x15400] =	vst v63  }
.LBB2_22:
0x12a: {  	_ =	swait.ge [sflag:s29], $0x2800;
	s0 =	sadd.s32 s18, s10  }
0x12b: {  	s18 =	simm.s32 $0x0;
	[sflag:s29] =	ssyncset.done $0x0;
	s0 =	sshll.u32 s0, $0x4  }
.Ltmp12:
0x12c: {  	[sflag:s29] =	ssyncadd.s32 $0xFFFFD800;
	s0 =	sadd.s32 s4, s0;
	(pc) =	sbr.rel @p0 .LBB2_28-.Ltmp12, $4  }
0x12d: {  	[hbm4b:s0+s18] =	stream.linear.scatter [tilespmem:s21], [sflag:$0x9], $0x2800, $0x38;
	[tilespmem:$0x15400] =	vst v63  }
0x12e: {  	_ =	swait.ge [sflag:s30], $0x2800  }
0x12f: {  	[sflag:s30] =	ssyncset.done $0x0  }
0x130: {  	[sflag:s30] =	ssyncadd.s32 $0xFFFFD800  }
0x131: {  	s20 =	simm.s32 $0x0  }
0x132: {  	v3 =	vld [tilespmem:s20+$0x7870]  }
0x133: {  	v4 =	vld [tilespmem:s20+$0x7800]  }
0x134: {  	v5 =	vld [tilespmem:s20+$0x7810]  }
0x135: {  	v2 =	vld [tilespmem:s20+$0x7820]  }
0x136: {  	v0 =	vld [tilespmem:s20+$0x7830]  }
0x137: {  	v1 =	vld [tilespmem:s20+$0x7840];
	[tilespmem:s20+$0xDC70] =	vst v3  }
0x138: {  	[tilespmem:s20+$0xDC00] =	vst v4;
	v3 =	vld [tilespmem:s20+$0x7850]  }
0x139: {  	s7 =	simm.s32 $0x80;
	s0 =	simm.s32 $0x400;
	s11 =	simm.s32 $0x0;
	[tilespmem:s20+$0xDC10] =	vst v5;
	v4 =	vld [tilespmem:s20+$0x7860]  }
.LBB2_24:
0x13a: {  	p1 =	sne.s32 s0, $0x4E00;
	v5 =	vld [tilespmem:s7+$0x7870];
	[tilespmem:s11+$0xDC20] =	vst v2  }
0x13b: {  	v6 =	vld [tilespmem:s7+$0x7800];
	[tilespmem:s11+$0xDC30] =	vst v0  }
0x13c: {  	v7 =	vld [tilespmem:s7+$0x7810];
	[tilespmem:s11+$0xDC40] =	vst v1  }
.Ltmp13:
0x13d: {  	v2 =	vld [tilespmem:s7+$0x7820];
	[tilespmem:s11+$0xDC50] =	vst v3;
	(pc) =	sbr.rel @p1 .LBB2_24-.Ltmp13, $4  }
0x13e: {  	v0 =	vld [tilespmem:s7+$0x7830];
	[tilespmem:s11+$0xDC60] =	vst v4;
	s11 =	smov.u32 s7  }
0x13f: {  	v1 =	vld [tilespmem:s11+$0x7840];
	[tilespmem:s11+$0xDC70] =	vst v5  }
0x140: {  	[tilespmem:s11+$0xDC00] =	vst v6;
	v3 =	vld [tilespmem:s11+$0x7850]  }
0x141: {  	s7 =	sshra.s32 s0, $0x2;
	s0 =	sadd.s32 $0x200, s0;
	[tilespmem:s11+$0xDC10] =	vst v7;
	v4 =	vld [tilespmem:s11+$0x7860]  }
0x142: {  	v5 =	vld [tilespmem:s7+$0x7870];
	[tilespmem:s11+$0xDC20] =	vst v2  }
0x143: {  	v2 =	vld [tilespmem:s7+$0x7800];
	[tilespmem:s11+$0xDC30] =	vst v0  }
0x144: {  	v0 =	vld [tilespmem:s7+$0x7810];
	[tilespmem:s11+$0xDC40] =	vst v1  }
0x145: {  	v1 =	vld [tilespmem:s7+$0x7820];
	[tilespmem:s11+$0xDC50] =	vst v3  }
0x146: {  	v3 =	vld [tilespmem:s7+$0x7830];
	[tilespmem:s11+$0xDC60] =	vst v4  }
0x147: {  	v4 =	vld [tilespmem:s7+$0x7840];
	[tilespmem:s7+$0xDC70] =	vst v5  }
0x148: {  	[tilespmem:s7+$0xDC00] =	vst v2;
	v2 =	vld [tilespmem:s7+$0x7850]  }
0x149: {  	[tilespmem:s7+$0xDC10] =	vst v0;
	v0 =	vld [tilespmem:s7+$0x7860]  }
0x14a: {  	[tilespmem:s7+$0xDC20] =	vst v1  }
0x14b: {  	[tilespmem:s7+$0xDC30] =	vst v3  }
0x14c: {  	[tilespmem:s7+$0xDC40] =	vst v4  }
0x14d: {  	[tilespmem:s7+$0xDC50] =	vst v2  }
0x14e: {  	[tilespmem:s7+$0xDC60] =	vst v0  }
0x14f: {  	v3 =	vld [tilespmem:s20+$0x2870]  }
0x150: {  	v4 =	vld [tilespmem:s20+$0x2800]  }
0x151: {  	v5 =	vld [tilespmem:s20+$0x2810]  }
0x152: {  	v2 =	vld [tilespmem:s20+$0x2820]  }
0x153: {  	v0 =	vld [tilespmem:s20+$0x2830]  }
0x154: {  	v1 =	vld [tilespmem:s20+$0x2840];
	[tilespmem:s20+$0xF070] =	vst v3  }
0x155: {  	[tilespmem:s20+$0xF000] =	vst v4;
	v3 =	vld [tilespmem:s20+$0x2850]  }
0x156: {  	s0 =	simm.s32 $0x400;
	s7 =	simm.s32 $0x80;
	[tilespmem:s20+$0xF010] =	vst v5;
	v4 =	vld [tilespmem:s20+$0x2860]  }
.LBB2_26:
0x157: {  	p1 =	sne.s32 s0, $0x4E00;
	v5 =	vld [tilespmem:s7+$0x2870];
	[tilespmem:s20+$0xF020] =	vst v2  }
0x158: {  	v6 =	vld [tilespmem:s7+$0x2800];
	[tilespmem:s20+$0xF030] =	vst v0  }
0x159: {  	v7 =	vld [tilespmem:s7+$0x2810];
	[tilespmem:s20+$0xF040] =	vst v1  }
.Ltmp14:
0x15a: {  	v2 =	vld [tilespmem:s7+$0x2820];
	[tilespmem:s20+$0xF050] =	vst v3;
	(pc) =	sbr.rel @p1 .LBB2_26-.Ltmp14, $4  }
0x15b: {  	v0 =	vld [tilespmem:s7+$0x2830];
	[tilespmem:s20+$0xF060] =	vst v4;
	s20 =	smov.u32 s7  }
0x15c: {  	v1 =	vld [tilespmem:s20+$0x2840];
	[tilespmem:s20+$0xF070] =	vst v5  }
0x15d: {  	[tilespmem:s20+$0xF000] =	vst v6;
	v3 =	vld [tilespmem:s20+$0x2850]  }
0x15e: {  	s7 =	sshra.s32 s0, $0x2;
	s0 =	sadd.s32 $0x200, s0;
	[tilespmem:s20+$0xF010] =	vst v7;
	v4 =	vld [tilespmem:s20+$0x2860]  }
0x15f: {  	v5 =	vld [tilespmem:s7+$0x2870];
	[tilespmem:s20+$0xF020] =	vst v2  }
0x160: {  	v2 =	vld [tilespmem:s7+$0x2800];
	[tilespmem:s20+$0xF030] =	vst v0  }
0x161: {  	v0 =	vld [tilespmem:s7+$0x2810];
	[tilespmem:s20+$0xF040] =	vst v1  }
0x162: {  	v1 =	vld [tilespmem:s7+$0x2820];
	[tilespmem:s20+$0xF050] =	vst v3  }
0x163: {  	v3 =	vld [tilespmem:s7+$0x2830];
	[tilespmem:s20+$0xF060] =	vst v4  }
0x164: {  	v4 =	vld [tilespmem:s7+$0x2840];
	[tilespmem:s7+$0xF070] =	vst v5  }
0x165: {  	v62 =	vld [tilespmem:s7+$0x2850];
	[tilespmem:s7+$0xF000] =	vst v2  }
0x166: {  	v63 =	vld [tilespmem:s7+$0x2860];
	[tilespmem:s7+$0xF010] =	vst v0  }
0x167: {  	[tilespmem:s7+$0xF020] =	vst v1  }
0x168: {  	s0 =	smul.u32 $0xA00, s13;
	[tilespmem:s7+$0xF030] =	vst v3  }
0x169: {  	[tilespmem:s7+$0xF040] =	vst v4  }
0x16a: {  	s0 =	sshra.s32 s0, $0x2;
	[tilespmem:s7+$0xF050] =	vst v62  }
0x16b: {  	s0 =	sadd.s32 $0x380, s0;
	[tilespmem:s7+$0xF060] =	vst v63  }
0x16c: {  	[tilespmem:s19], [sflag:$0x3] =	stream.indirect.gather.add.f32 [hbm:s1], $0x80, s0, s14, $0xb8;
	[tilespmem:$0x15400] =	vst v63  }
.LBB2_28:
0x16d: {  	s0 =	smul.u32 $0x50, s16;
	_ =	sdelay $0x1  }
0x16e: {  	_ =	swait.ge [sflag:s31], $0x2800;
	s0 =	sadd.s32 s6, s0  }
0x16f: {  	[sflag:s31] =	ssyncset.done $0x0;
	s0 =	sshll.u32 s0, $0x4  }
.Ltmp15:
0x170: {  	[sflag:s31] =	ssyncadd.s32 $0xFFFFD800;
	s0 =	sadd.s32 s4, s0;
	(pc) =	sbr.rel @p0 .LBB2_32-.Ltmp15, $4  }
0x171: {  	[hbm4b:s0+s18] =	stream.linear.scatter [tilespmem:s23], [sflag:$0xA], $0x2800, $0x38;
	[tilespmem:$0x15400] =	vst v63  }
0x172: {  	_ =	swait.ge [sflag:s2], $0x2800  }
0x173: {  	[sflag:s2] =	ssyncset.done $0x0  }
0x174: {  	[sflag:s2] =	ssyncadd.s32 $0xFFFFD800  }
0x175: {  	s7 =	simm.s32 $0x0  }
0x176: {  	v3 =	vld [tilespmem:s7+$0x3C70]  }
0x177: {  	v4 =	vld [tilespmem:s7+$0x3C00]  }
0x178: {  	v5 =	vld [tilespmem:s7+$0x3C10]  }
0x179: {  	v2 =	vld [tilespmem:s7+$0x3C20]  }
0x17a: {  	v0 =	vld [tilespmem:s7+$0x3C30]  }
0x17b: {  	v1 =	vld [tilespmem:s7+$0x3C40];
	[tilespmem:s7+$0x10470] =	vst v3  }
0x17c: {  	[tilespmem:s7+$0x10400] =	vst v4;
	v3 =	vld [tilespmem:s7+$0x3C50]  }
0x17d: {  	s11 =	simm.s32 $0x80;
	s0 =	simm.s32 $0x400;
	[tilespmem:s7+$0x10410] =	vst v5;
	v4 =	vld [tilespmem:s7+$0x3C60]  }
.LBB2_30:
0x17e: {  	p0 =	sne.s32 s0, $0x9E00;
	v5 =	vld [tilespmem:s11+$0x3C70];
	[tilespmem:s7+$0x10420] =	vst v2  }
0x17f: {  	v6 =	vld [tilespmem:s11+$0x3C00];
	[tilespmem:s7+$0x10430] =	vst v0  }
0x180: {  	v7 =	vld [tilespmem:s11+$0x3C10];
	[tilespmem:s7+$0x10440] =	vst v1  }
.Ltmp16:
0x181: {  	v2 =	vld [tilespmem:s11+$0x3C20];
	[tilespmem:s7+$0x10450] =	vst v3;
	(pc) =	sbr.rel @p0 .LBB2_30-.Ltmp16, $4  }
0x182: {  	v0 =	vld [tilespmem:s11+$0x3C30];
	[tilespmem:s7+$0x10460] =	vst v4;
	s7 =	smov.u32 s11  }
0x183: {  	v1 =	vld [tilespmem:s7+$0x3C40];
	[tilespmem:s7+$0x10470] =	vst v5  }
0x184: {  	[tilespmem:s7+$0x10400] =	vst v6;
	v3 =	vld [tilespmem:s7+$0x3C50]  }
0x185: {  	s11 =	sshra.s32 s0, $0x2;
	s0 =	sadd.s32 $0x200, s0;
	[tilespmem:s7+$0x10410] =	vst v7;
	v4 =	vld [tilespmem:s7+$0x3C60]  }
0x186: {  	v5 =	vld [tilespmem:s11+$0x3C70];
	[tilespmem:s7+$0x10420] =	vst v2  }
0x187: {  	v2 =	vld [tilespmem:s11+$0x3C00];
	[tilespmem:s7+$0x10430] =	vst v0  }
0x188: {  	v0 =	vld [tilespmem:s11+$0x3C10];
	[tilespmem:s7+$0x10440] =	vst v1  }
0x189: {  	v1 =	vld [tilespmem:s11+$0x3C20];
	[tilespmem:s7+$0x10450] =	vst v3  }
0x18a: {  	v3 =	vld [tilespmem:s11+$0x3C30];
	[tilespmem:s7+$0x10460] =	vst v4  }
0x18b: {  	v4 =	vld [tilespmem:s11+$0x3C40];
	[tilespmem:s11+$0x10470] =	vst v5  }
0x18c: {  	v62 =	vld [tilespmem:s11+$0x3C50];
	[tilespmem:s11+$0x10400] =	vst v2  }
0x18d: {  	v63 =	vld [tilespmem:s11+$0x3C60];
	[tilespmem:s11+$0x10410] =	vst v0  }
0x18e: {  	s0 =	smul.u32 $0xA00, s13;
	[tilespmem:s11+$0x10420] =	vst v1  }
.Ltmp17:
0x18f: {  	[tilespmem:s11+$0x10430] =	vst v3;
	(pc) =	sbr.rel .LBB2_12-.Ltmp17, $4  }
0x190: {  	[tilespmem:s11+$0x10440] =	vst v4  }
0x191: {  	s0 =	sshra.s32 s0, $0x2;
	[tilespmem:s11+$0x10450] =	vst v62  }
0x192: {  	s13 =	sadd.s32 $0x1, s13;
	s0 =	sadd.s32 $0x400, s0;
	[tilespmem:s11+$0x10460] =	vst v63  }
0x193: {  	[tilespmem:s21], [sflag:$0x4] =	stream.indirect.gather.add.f32 [hbm:s1], $0x80, s0, s14, $0xb8;
	[tilespmem:$0x15400] =	vst v63  }
.LBB2_33:
0x194: {  	_ =	sfence.sel $0x180000  }
0x195: {  	[bflag:$0x0] =	sbarrier.arrive $0xFFFF  }
0x196: {  	_ =	strace $0x90000047  }
0x197: {  	s0 =	stileid.u32;
	[bflag:$0x2] =	sbarrier.arrive $0xFFFF  }
0x198: {  	p0 =	sne.s32 s0, $0x0;
	s0 =	rddreg [dreg:$0x4]  }
0x199: {  	s0 =	sadd.s32 @!p0 $0x100000, s0  }
0x19a: {  	[sflag:s0] =	ssyncadd.tile.s32 @!p0 $0x1;
	_ =	shalt  }
.Lfunc_end2:
_tile_overlayer_lowered:
.L_overlay_start_2:
0x19b: {  	(tag) =	ssettag $0x2  }
0x19c: {  	s0 =	rddreg [dreg:$0x0];
	s2 =	stileid.u32  }
0x19d: {  	s1 =	rddreg [dreg:$0x1];
	p0 =	sne.s32 s2, $0x0  }
0x19e: {  	s3 =	rddreg [dreg:$0x2];
	[bflag:$0x3] =	sbarrier.arrive $0xFFFF;
	s2 =	simm.s32 @!p0 $0x1C0B  }
0x19f: {  	[timem:s3], [sflag:s2] =	dma.local @!p0 [hbm:s0], s1  }
0x1a0: {  	s0 =	simm.s32 @!p0 $0xB  }
0x1a1: {  	_ =	swait.ge @!p0 [sflag:s0], s1  }
0x1a2: {  	s1 =	ssub.s32 @!p0 $0x0, s1;
	[sflag:s0] =	ssyncset.done @!p0 $0x0  }
0x1a3: {  	[sflag:s0] =	ssyncadd.s32 @!p0 s1  }
0x1a4: {  	[bflag:$0x3] =	sbarrier.arrive $0xFFFF  }
0x1a5: {  	_ =	shalt  }

</sc_bundles>
